<compile_context>
chip_gen: v7x
topology: tpu7x:2x2x1
jax: 0.10.2.dev20260603
libtpu: 0.0.44.dev20260713+nightly
codegen_flags: <defaults>
</compile_context>

<pallas_src>
import functools

import jax
import jax.numpy as jnp
import numpy as np
from jax import lax
from jax.experimental import pallas as pl
from jax.experimental.pallas import tpu as pltpu
from jax.experimental.pallas import tpu_sc as plsc

_B = 2
_C = 32
_N = 8192
_M = 1024
_K = 32
_R2 = np.float32(0.2 ** 2)
_D = 48
_BM = _B * _M
_NTOT = float(_K * _BM)

_SC_INFO = plsc.get_sparse_core_info()
_NW = _SC_INFO.num_cores * _SC_INFO.num_subcores



def _fps_body(pts_ref, idx_ref):
    pts = pts_ref[...]
    iota_n = (lax.broadcasted_iota(jnp.int32, (_B, 64, 128), 1) * 128
              + lax.broadcasted_iota(jnp.int32, (_B, 64, 128), 2))
    iota_m = (lax.broadcasted_iota(jnp.int32, (_B, 8, 128), 1) * 128
              + lax.broadcasted_iota(jnp.int32, (_B, 8, 128), 2))
    big_n = jnp.int32(_N)

    def step(t, carry):
        dist, far, idxs = carry
        sel = iota_n == far
        c3 = jnp.sum(jnp.where(sel[:, None], pts, 0.0),
                     axis=(2, 3), keepdims=True)
        delta = pts - c3
        d = jnp.sum(delta * delta, axis=1)
        dist = jnp.minimum(dist, d)
        m = jnp.max(dist, axis=(1, 2), keepdims=True)
        nxt = jnp.min(jnp.where(dist == m, iota_n, big_n),
                      axis=(1, 2), keepdims=True)
        idxs = jnp.where(iota_m == t, far, idxs)
        return dist, nxt, idxs

    dist0 = jnp.full((_B, 64, 128), 1e10, jnp.float32)
    idxs0 = jnp.zeros((_B, 8, 128), jnp.int32)
    far0 = jnp.zeros((_B, 1, 1), jnp.int32)
    _, _, idxs = lax.fori_loop(0, _M, step, (dist0, far0, idxs0))
    off = lax.broadcasted_iota(jnp.int32, (_B, 8, 128), 0) * _N
    idx_ref[...] = idxs + off


def _fps(coords4):
    return pl.pallas_call(
        _fps_body,
        in_specs=[pl.BlockSpec((_B, 3, 64, 128), lambda: (0, 0, 0, 0))],
        out_specs=pl.BlockSpec((_B, 8, 128), lambda: (0, 0, 0)),
        out_shape=jax.ShapeDtypeStruct((_B, 8, 128), jnp.int32),
    )(coords4)



def _sc_gather(table, idx):
    rows = idx.shape[0]
    bpw = rows // _NW
    chunk = min(bpw, 128)
    nchunks = bpw // chunk
    mesh = plsc.VectorSubcoreMesh(core_axis_name="c", subcore_axis_name="s")

    @functools.partial(
        pl.kernel,
        mesh=mesh,
        compiler_params=pltpu.CompilerParams(use_tc_tiling_on_sc=False),
        out_type=jax.ShapeDtypeStruct((rows, _D), jnp.float32),
        scratch_types=[
            pltpu.VMEM((bpw,), jnp.int32),
            pltpu.VMEM((bpw, _D), jnp.float32),
            pltpu.SemaphoreType.DMA,
        ],
    )
    def k(table_hbm, idx_hbm, out_hbm, idx_v, rows_v, sem):
        wid = lax.axis_index("s") * _SC_INFO.num_cores + lax.axis_index("c")
        base = wid * bpw
        pltpu.sync_copy(idx_hbm.at[pl.ds(base, bpw)], idx_v)
        copies = []
        for j in range(nchunks):
            copies.append(pltpu.async_copy(
                table_hbm.at[idx_v.at[pl.ds(j * chunk, chunk)]],
                rows_v.at[pl.ds(j * chunk, chunk)],
                sem,
            ))
        for cp in copies:
            cp.wait()
        pltpu.sync_copy(rows_v, out_hbm.at[pl.ds(base, bpw)])

    return k(table, idx)



_MB = 128


def _bq_body(cen_ref, pts_ref, out_ref):
    c = cen_ref[0]
    p = pts_ref[0]
    p2 = jnp.sum(p * p, axis=0, keepdims=True)
    c2 = jnp.sum(c * c, axis=1, keepdims=True)
    mm = lax.dot_general(c, p, (((1,), (0,)), ((), ())),
                         preferred_element_type=jnp.float32)
    d2 = (c2 + p2) - 2.0 * mm
    iota = lax.broadcasted_iota(jnp.int32, (_MB, _N), 1)
    big_n = jnp.int32(_N)
    candb = jnp.where(d2 < _R2, iota, big_n)
    iota_k = lax.broadcasted_iota(jnp.int32, (_MB, _K), 1)

    def kstep(k, carry):
        prev, sel = carry
        cand = jnp.where(iota > prev, candb, big_n)
        nxt = jnp.min(cand, axis=1, keepdims=True)
        sel = jnp.where(iota_k == k, nxt, sel)
        return nxt, sel

    prev0 = jnp.full((_MB, 1), -1, jnp.int32)
    sel0 = jnp.zeros((_MB, _K), jnp.int32)
    _, sel = lax.fori_loop(0, _K, kstep, (prev0, sel0))
    first = sel[:, 0:1]
    sel = jnp.where(sel == big_n, first, sel)
    sel = jnp.where(sel == big_n, 0, sel)
    out_ref[0] = sel + pl.program_id(0) * _N


def _ball_query(centers, coords):
    return pl.pallas_call(
        _bq_body,
        grid=(_B, _M // _MB),
        in_specs=[
            pl.BlockSpec((1, _MB, 3), lambda b, i: (b, i, 0)),
            pl.BlockSpec((1, 3, _N), lambda b, i: (b, 0, 0)),
        ],
        out_specs=pl.BlockSpec((1, _MB, _K), lambda b, i: (b, i, 0)),
        out_shape=jax.ShapeDtypeStruct((_B, _M, _K), jnp.int32),
        compiler_params=pltpu.CompilerParams(
            dimension_semantics=("parallel", "parallel")),
    )(centers, coords)



def _conv1_body(g_ref, cen_ref, w1_ref, w13_ref, b1_ref, y_ref, st_ref):
    g = g_ref[...]
    y = jnp.dot(g, w1_ref[...], preferred_element_type=jnp.float32)
    corr = jnp.dot(cen_ref[...], w13_ref[...],
                   preferred_element_type=jnp.float32)
    y = (y + b1_ref[...]) - corr
    y_ref[...] = y
    s = jnp.sum(y, axis=0, keepdims=True)
    q = jnp.sum(y * y, axis=0, keepdims=True)
    st = jnp.concatenate([s, q, jnp.zeros((6, 32), jnp.float32)], axis=0)

    @pl.when(pl.program_id(0) == 0)
    def _():
        st_ref[...] = st

    @pl.when(pl.program_id(0) != 0)
    def _():
        st_ref[...] = st_ref[...] + st


def _conv1(g, cen48, w1p, w13z, b1):
    return pl.pallas_call(
        _conv1_body,
        grid=(_K,),
        in_specs=[
            pl.BlockSpec((_BM, _D), lambda k: (k, 0)),
            pl.BlockSpec((_BM, _D), lambda k: (0, 0)),
            pl.BlockSpec((_D, 32), lambda k: (0, 0)),
            pl.BlockSpec((_D, 32), lambda k: (0, 0)),
            pl.BlockSpec((1, 32), lambda k: (0, 0)),
        ],
        out_specs=[
            pl.BlockSpec((_BM, 32), lambda k: (k, 0)),
            pl.BlockSpec((8, 32), lambda k: (0, 0)),
        ],
        out_shape=[
            jax.ShapeDtypeStruct((_K * _BM, 32), jnp.float32),
            jax.ShapeDtypeStruct((8, 32), jnp.float32),
        ],
    )(g, cen48, w1p, w13z, b1)



def _conv2_body(y1_ref, st1_ref, g1_ref, be1_ref, w2_ref, b2_ref,
                y_ref, st_ref):
    st1 = st1_ref[...]
    m1 = st1[0:1] * (1.0 / _NTOT)
    v1 = st1[1:2] * (1.0 / _NTOT) - m1 * m1
    h = (y1_ref[...] - m1) / jnp.sqrt(v1 + 1e-5)
    h = jnp.maximum(h * g1_ref[...] + be1_ref[...], 0.0)
    y = jnp.dot(h, w2_ref[...], preferred_element_type=jnp.float32)
    y = y + b2_ref[...]
    y_ref[...] = y
    s = jnp.sum(y, axis=0, keepdims=True)
    q = jnp.sum(y * y, axis=0, keepdims=True)
    st = jnp.concatenate([s, q, jnp.zeros((6, 64), jnp.float32)], axis=0)

    @pl.when(pl.program_id(0) == 0)
    def _():
        st_ref[...] = st

    @pl.when(pl.program_id(0) != 0)
    def _():
        st_ref[...] = st_ref[...] + st


def _conv2(y1, st1, g1, be1, w2t, b2):
    return pl.pallas_call(
        _conv2_body,
        grid=(_K,),
        in_specs=[
            pl.BlockSpec((_BM, 32), lambda k: (k, 0)),
            pl.BlockSpec((8, 32), lambda k: (0, 0)),
            pl.BlockSpec((1, 32), lambda k: (0, 0)),
            pl.BlockSpec((1, 32), lambda k: (0, 0)),
            pl.BlockSpec((32, 64), lambda k: (0, 0)),
            pl.BlockSpec((1, 64), lambda k: (0, 0)),
        ],
        out_specs=[
            pl.BlockSpec((_BM, 64), lambda k: (k, 0)),
            pl.BlockSpec((8, 64), lambda k: (0, 0)),
        ],
        out_shape=[
            jax.ShapeDtypeStruct((_K * _BM, 64), jnp.float32),
            jax.ShapeDtypeStruct((8, 64), jnp.float32),
        ],
    )(y1, st1, g1, be1, w2t, b2)



def _pool_body(y2_ref, st2_ref, g2_ref, be2_ref, out_ref):
    st2 = st2_ref[...]
    m2 = st2[0:1] * (1.0 / _NTOT)
    v2 = st2[1:2] * (1.0 / _NTOT) - m2 * m2
    h = (y2_ref[...] - m2) / jnp.sqrt(v2 + 1e-5)
    h = jnp.maximum(h * g2_ref[...] + be2_ref[...], 0.0)

    @pl.when(pl.program_id(0) == 0)
    def _():
        out_ref[...] = h

    @pl.when(pl.program_id(0) != 0)
    def _():
        out_ref[...] = jnp.maximum(out_ref[...], h)


def _pool(y2, st2, g2, be2):
    return pl.pallas_call(
        _pool_body,
        grid=(_K,),
        in_specs=[
            pl.BlockSpec((_BM, 64), lambda k: (k, 0)),
            pl.BlockSpec((8, 64), lambda k: (0, 0)),
            pl.BlockSpec((1, 64), lambda k: (0, 0)),
            pl.BlockSpec((1, 64), lambda k: (0, 0)),
        ],
        out_specs=pl.BlockSpec((_BM, 64), lambda k: (0, 0)),
        out_shape=jax.ShapeDtypeStruct((_BM, 64), jnp.float32),
    )(y2, st2, g2, be2)



def kernel(features, coords, W1, b1, g1, be1, W2, b2, g2, be2):
    coords4 = coords.reshape(_B, 3, _N // 128, 128)
    idxs = _fps(coords4).reshape(_B * _M)

    table = jnp.concatenate(
        [coords.transpose(0, 2, 1), features.transpose(0, 2, 1),
         jnp.zeros((_B, _N, _D - 3 - _C), jnp.float32)],
        axis=2).reshape(_B * _N, _D)

    cen48 = _sc_gather(table, idxs)
    centers_bm3 = cen48[:, :3].reshape(_B, _M, 3)

    nidx = _ball_query(centers_bm3, coords)
    nidx_kmaj = nidx.transpose(2, 0, 1).reshape(_K * _B * _M)
    g = _sc_gather(table, nidx_kmaj)

    w1p = jnp.concatenate(
        [W1.T, jnp.zeros((_D - 3 - _C, 32), jnp.float32)], axis=0)
    w13z = jnp.concatenate(
        [W1.T[:3], jnp.zeros((_D - 3, 32), jnp.float32)], axis=0)

    y1, st1 = _conv1(g, cen48, w1p, w13z, b1.reshape(1, 32))
    y2, st2 = _conv2(y1, st1, g1.reshape(1, 32), be1.reshape(1, 32),
                     W2.T, b2.reshape(1, 64))
    out_f = _pool(y2, st2, g2.reshape(1, 64), be2.reshape(1, 64))

    out = out_f.reshape(_B, _M, 64).transpose(0, 2, 1)
    centers = centers_bm3.transpose(0, 2, 1)
    return (out, centers)

# --- scband reference (transcript-rebuilt; emitter-appended) ---
"""Pipeline reference for scband-point-net-samodule-86260123173794 (READ-ONLY COPY).

The authoritative reference and input builder live on the scoring server;
editing this copy changes nothing except your own understanding.
"""

import jax, jax.numpy as jnp
import numpy as np

NUM_CENTERS = 1024
RADIUS = 0.2
NUM_NEIGHBORS = 32


def fps_indices(pts):
    # pts: [B, N, 3] -> indices [B, NUM_CENTERS]
    pts = jax.lax.stop_gradient(pts)
    B, N, _ = pts.shape

    def step(carry, _):
        dist, far = carry
        centroid = jnp.take_along_axis(pts, far[:, None, None], axis=1)  # [B,1,3]
        d = jnp.sum((pts - centroid) ** 2, axis=-1)  # [B,N]
        dist = jnp.minimum(dist, d)
        nxt = jnp.argmax(dist, axis=-1).astype(jnp.int32)
        return (dist, nxt), far

    init = (jnp.full((B, N), 1e10, dtype=pts.dtype), jnp.zeros((B,), jnp.int32))
    _, idxs = jax.lax.scan(step, init, None, length=NUM_CENTERS)
    return jnp.transpose(idxs)  # [B, NUM_CENTERS]


def ball_query(centers, points):
    # centers: [B,3,M], points: [B,3,N] -> neighbor idx [B,M,K]
    c = jax.lax.stop_gradient(jnp.transpose(centers, (0, 2, 1)))  # [B,M,3]
    p = jax.lax.stop_gradient(jnp.transpose(points, (0, 2, 1)))   # [B,N,3]
    d2 = (jnp.sum(c ** 2, -1)[:, :, None] + jnp.sum(p ** 2, -1)[:, None, :]
          - 2.0 * jnp.einsum('bmd,bnd->bmn', c, p))  # [B,M,N]
    N = p.shape[1]
    cand = jnp.where(d2 < RADIUS ** 2,
                     jnp.arange(N, dtype=jnp.int32)[None, None, :],
                     jnp.int32(N))
    sidx = jnp.sort(cand, axis=-1)[:, :, :NUM_NEIGHBORS]  # first K in-ball indices
    first = sidx[:, :, :1]
    sidx = jnp.where(sidx == N, jnp.broadcast_to(first, sidx.shape), sidx)  # pad with first hit
    sidx = jnp.where(sidx == N, 0, sidx)  # centers with no neighbors -> 0
    return sidx


def grouping(feats, idx):
    # feats: [B,C,N], idx: [B,M,K] -> [B,C,M,K]
    return jax.vmap(lambda f, i: f[:, i])(feats, idx)


def conv_bn_relu(x, W, b, g, be):
    # 1x1 conv2d + BatchNorm2d (training-mode batch stats) + ReLU
    y = jnp.einsum('oi,bimk->bomk', W, x) + b[None, :, None, None]
    mean = jnp.mean(y, axis=(0, 2, 3), keepdims=True)
    var = jnp.var(y, axis=(0, 2, 3), keepdims=True)
    y = (y - mean) / jnp.sqrt(var + 1e-5)
    y = y * g[None, :, None, None] + be[None, :, None, None]
    return jax.nn.relu(y)


def setup_inputs(seed: int = 0):
    key = jax.random.key(seed)
    ks = jax.random.split(key, 6)
    B, C, N = 2, 32, 8192
    features = jax.random.normal(ks[0], (B, C, N), dtype=jnp.float32)
    coords = jax.random.uniform(ks[1], (B, 3, N), dtype=jnp.float32)
    ic0 = C + 3
    W1 = jax.random.normal(ks[2], (32, ic0), dtype=jnp.float32) * (1.0 / np.sqrt(ic0))
    b1 = jnp.zeros((32,), jnp.float32)
    g1 = jnp.ones((32,), jnp.float32)
    be1 = jnp.zeros((32,), jnp.float32)
    W2 = jax.random.normal(ks[3], (64, 32), dtype=jnp.float32) * (1.0 / np.sqrt(32))
    b2 = jnp.zeros((64,), jnp.float32)
    g2 = jnp.ones((64,), jnp.float32)
    be2 = jnp.zeros((64,), jnp.float32)
    return {"features": features, "coords": coords,
            "W1": W1, "b1": b1, "g1": g1, "be1": be1,
            "W2": W2, "b2": b2, "g2": g2, "be2": be2}


def reference(features, coords, W1, b1, g1, be1, W2, b2, g2, be2):
    # furthest point sampling
    idxs = fps_indices(jnp.transpose(coords, (0, 2, 1)))  # [B,M]
    centers = jax.vmap(lambda c, i: c[:, i])(coords, idxs)  # [B,3,M]
    # ball query + grouping
    nidx = ball_query(centers, coords)  # [B,M,K]
    ncoords = grouping(coords, nidx) - centers[:, :, :, None]  # [B,3,M,K]
    nfeats = grouping(features, nidx)  # [B,C,M,K]
    x = jnp.concatenate([ncoords, nfeats], axis=1)  # [B,C+3,M,K]
    # shared MLP (1x1 conv + BN + ReLU) then max over neighbors
    x = conv_bn_relu(x, W1, b1, g1, be1)
    x = conv_bn_relu(x, W2, b2, g2, be2)
    out = jnp.max(x, axis=-1)  # [B,64,M]
    return (out, centers)

if __name__ == "__main__":
    import jax
    _d = setup_inputs()
    print(jax.jit(kernel)(*tuple(_d.values())))

</pallas_src>

<mosaic_0001>
#map = affine_map<(d0, d1) -> (0, 0)>
#map1 = affine_map<(d0, d1) -> (0)>
module attributes {stable_mosaic.version = 14 : i64} {
  func.func @k(%arg0: i32, %arg1: i32, %arg2: memref<16384x48xf32, #tpu.memory_space<hbm>>, %arg3: memref<65536xi32, #tpu.memory_space<hbm>>, %arg4: memref<65536x48xf32, #tpu.memory_space<hbm>>, %arg5: memref<2048xi32, #tpu.memory_space<vmem>>, %arg6: memref<2048x48xf32, #tpu.memory_space<vmem>>, %arg7: memref<!tpu.dma_semaphore, #tpu.memory_space<semaphore_mem>>) attributes {dimension_semantics = [#tpu.dimension_semantics<core_parallel>, #tpu.dimension_semantics<subcore_parallel>], iteration_bounds = array<i64: 2, 16>, scalar_prefetch = 0 : i64, scratch_operands = 3 : i64, tpu.core_type = #tpu.core_type<sc_vector_subcore>, window_params = [{transform_indices = #map}, {transform_indices = #map1}, {transform_indices = #map}]} {
    %mul3A = arith.constant 2 : i32
    %mul3A_0 = arith.muli %arg1, %mul3A : i32
    %add3A = arith.addi %mul3A_0, %arg0 : i32
    %mul3A_1 = arith.constant 2048 : i32
    %mul3A_2 = arith.muli %add3A, %mul3A_1 : i32
    "tpu.region"() ({
      %run_scoped3A = tpu.sem_alloc : memref<!tpu.dma_semaphore, #tpu.memory_space<semaphore_mem>>
      %dma_start3A_257 = tpu.memref_slice %arg3[%mul3A_2] : memref<65536xi32, #tpu.memory_space<hbm>> -> memref<2048xi32, #tpu.memory_space<hbm>>
      %dma_start3A_258 = tpu.memref_slice %arg3[%mul3A_2] : memref<65536xi32, #tpu.memory_space<hbm>> -> memref<2048xi32, #tpu.memory_space<hbm>>
      tpu.enqueue_dma source(%dma_start3A_258 : memref<2048xi32, #tpu.memory_space<hbm>>) target(%arg5 : memref<2048xi32, #tpu.memory_space<vmem>>) target_semaphore(%run_scoped3A : memref<!tpu.dma_semaphore, #tpu.memory_space<semaphore_mem>>)
      %dma_wait3A_259 = tpu.memref_slice %arg3[%mul3A_2] : memref<65536xi32, #tpu.memory_space<hbm>> -> memref<2048xi32, #tpu.memory_space<hbm>>
      %dma_wait3A_260 = tpu.memref_slice %arg3[%mul3A_2] : memref<65536xi32, #tpu.memory_space<hbm>> -> memref<2048xi32, #tpu.memory_space<hbm>>
      tpu.wait_dma2 semaphore(%run_scoped3A : memref<!tpu.dma_semaphore, #tpu.memory_space<semaphore_mem>>) src(%dma_wait3A_260 : memref<2048xi32, #tpu.memory_space<hbm>>) dst(%arg5 : memref<2048xi32, #tpu.memory_space<vmem>>)
      tpu.yield
    }) : () -> ()
    %dma_start3A = arith.constant 0 : i32
    %dma_start3A_3 = arith.constant 0 : i32
    %dma_start3A_4 = tpu.memref_slice %arg6[%dma_start3A, %dma_start3A_3] : memref<2048x48xf32, #tpu.memory_space<vmem>> -> memref<128x48xf32, #tpu.memory_space<vmem>>
    %dma_start3A_5 = arith.constant 0 : i32
    %dma_start3A_6 = tpu.memref_slice %arg5[%dma_start3A_5] : memref<2048xi32, #tpu.memory_space<vmem>> -> memref<128xi32, #tpu.memory_space<vmem>>
    %dma_start3A_7 = arith.constant 0 : i32
    %dma_start3A_8 = arith.constant 0 : i32
    %dma_start3A_9 = tpu.memref_slice %arg2[%dma_start3A_7, %dma_start3A_8] : memref<16384x48xf32, #tpu.memory_space<hbm>> -> memref<16384x48xf32, #tpu.memory_space<hbm>>
    tpu.enqueue_indirect_dma source(%dma_start3A_9 : memref<16384x48xf32, #tpu.memory_space<hbm>>) target(%dma_start3A_4 : memref<128x48xf32, #tpu.memory_space<vmem>>) offsets(%dma_start3A_6 : memref<128xi32, #tpu.memory_space<vmem>>) semaphore(%arg7 : memref<!tpu.dma_semaphore, #tpu.memory_space<semaphore_mem>>)
    %dma_start3A_10 = arith.constant 128 : i32
    %dma_start3A_11 = arith.constant 0 : i32
    %dma_start3A_12 = tpu.memref_slice %arg6[%dma_start3A_10, %dma_start3A_11] : memref<2048x48xf32, #tpu.memory_space<vmem>> -> memref<128x48xf32, #tpu.memory_space<vmem>>
    %dma_start3A_13 = arith.constant 128 : i32
    %dma_start3A_14 = tpu.memref_slice %arg5[%dma_start3A_13] : memref<2048xi32, #tpu.memory_space<vmem>> -> memref<128xi32, #tpu.memory_space<vmem>>
    %dma_start3A_15 = arith.constant 0 : i32
    %dma_start3A_16 = arith.constant 0 : i32
    %dma_start3A_17 = tpu.memref_slice %arg2[%dma_start3A_15, %dma_start3A_16] : memref<16384x48xf32, #tpu.memory_space<hbm>> -> memref<16384x48xf32, #tpu.memory_space<hbm>>
    tpu.enqueue_indirect_dma source(%dma_start3A_17 : memref<16384x48xf32, #tpu.memory_space<hbm>>) target(%dma_start3A_12 : memref<128x48xf32, #tpu.memory_space<vmem>>) offsets(%dma_start3A_14 : memref<128xi32, #tpu.memory_space<vmem>>) semaphore(%arg7 : memref<!tpu.dma_semaphore, #tpu.memory_space<semaphore_mem>>)
    %dma_start3A_18 = arith.constant 256 : i32
    %dma_start3A_19 = arith.constant 0 : i32
    %dma_start3A_20 = tpu.memref_slice %arg6[%dma_start3A_18, %dma_start3A_19] : memref<2048x48xf32, #tpu.memory_space<vmem>> -> memref<128x48xf32, #tpu.memory_space<vmem>>
    %dma_start3A_21 = arith.constant 256 : i32
    %dma_start3A_22 = tpu.memref_slice %arg5[%dma_start3A_21] : memref<2048xi32, #tpu.memory_space<vmem>> -> memref<128xi32, #tpu.memory_space<vmem>>
    %dma_start3A_23 = arith.constant 0 : i32
    %dma_start3A_24 = arith.constant 0 : i32
    %dma_start3A_25 = tpu.memref_slice %arg2[%dma_start3A_23, %dma_start3A_24] : memref<16384x48xf32, #tpu.memory_space<hbm>> -> memref<16384x48xf32, #tpu.memory_space<hbm>>
    tpu.enqueue_indirect_dma source(%dma_start3A_25 : memref<16384x48xf32, #tpu.memory_space<hbm>>) target(%dma_start3A_20 : memref<128x48xf32, #tpu.memory_space<vmem>>) offsets(%dma_start3A_22 : memref<128xi32, #tpu.memory_space<vmem>>) semaphore(%arg7 : memref<!tpu.dma_semaphore, #tpu.memory_space<semaphore_mem>>)
    %dma_start3A_26 = arith.constant 384 : i32
    %dma_start3A_27 = arith.constant 0 : i32
    %dma_start3A_28 = tpu.memref_slice %arg6[%dma_start3A_26, %dma_start3A_27] : memref<2048x48xf32, #tpu.memory_space<vmem>> -> memref<128x48xf32, #tpu.memory_space<vmem>>
    %dma_start3A_29 = arith.constant 384 : i32
    %dma_start3A_30 = tpu.memref_slice %arg5[%dma_start3A_29] : memref<2048xi32, #tpu.memory_space<vmem>> -> memref<128xi32, #tpu.memory_space<vmem>>
    %dma_start3A_31 = arith.constant 0 : i32
    %dma_start3A_32 = arith.constant 0 : i32
    %dma_start3A_33 = tpu.memref_slice %arg2[%dma_start3A_31, %dma_start3A_32] : memref<16384x48xf32, #tpu.memory_space<hbm>> -> memref<16384x48xf32, #tpu.memory_space<hbm>>
    tpu.enqueue_indirect_dma source(%dma_start3A_33 : memref<16384x48xf32, #tpu.memory_space<hbm>>) target(%dma_start3A_28 : memref<128x48xf32, #tpu.memory_space<vmem>>) offsets(%dma_start3A_30 : memref<128xi32, #tpu.memory_space<vmem>>) semaphore(%arg7 : memref<!tpu.dma_semaphore, #tpu.memory_space<semaphore_mem>>)
    %dma_start3A_34 = arith.constant 512 : i32
    %dma_start3A_35 = arith.constant 0 : i32
    %dma_start3A_36 = tpu.memref_slice %arg6[%dma_start3A_34, %dma_start3A_35] : memref<2048x48xf32, #tpu.memory_space<vmem>> -> memref<128x48xf32, #tpu.memory_space<vmem>>
    %dma_start3A_37 = arith.constant 512 : i32
    %dma_start3A_38 = tpu.memref_slice %arg5[%dma_start3A_37] : memref<2048xi32, #tpu.memory_space<vmem>> -> memref<128xi32, #tpu.memory_space<vmem>>
    %dma_start3A_39 = arith.constant 0 : i32
    %dma_start3A_40 = arith.constant 0 : i32
    %dma_start3A_41 = tpu.memref_slice %arg2[%dma_start3A_39, %dma_start3A_40] : memref<16384x48xf32, #tpu.memory_space<hbm>> -> memref<16384x48xf32, #tpu.memory_space<hbm>>
    tpu.enqueue_indirect_dma source(%dma_start3A_41 : memref<16384x48xf32, #tpu.memory_space<hbm>>) target(%dma_start3A_36 : memref<128x48xf32, #tpu.memory_space<vmem>>) offsets(%dma_start3A_38 : memref<128xi32, #tpu.memory_space<vmem>>) semaphore(%arg7 : memref<!tpu.dma_semaphore, #tpu.memory_space<semaphore_mem>>)
    %dma_start3A_42 = arith.constant 640 : i32
    %dma_start3A_43 = arith.constant 0 : i32
    %dma_start3A_44 = tpu.memref_slice %arg6[%dma_start3A_42, %dma_start3A_43] : memref<2048x48xf32, #tpu.memory_space<vmem>> -> memref<128x48xf32, #tpu.memory_space<vmem>>
    %dma_start3A_45 = arith.constant 640 : i32
    %dma_start3A_46 = tpu.memref_slice %arg5[%dma_start3A_45] : memref<2048xi32, #tpu.memory_space<vmem>> -> memref<128xi32, #tpu.memory_space<vmem>>
    %dma_start3A_47 = arith.constant 0 : i32
    %dma_start3A_48 = arith.constant 0 : i32
    %dma_start3A_49 = tpu.memref_slice %arg2[%dma_start3A_47, %dma_start3A_48] : memref<16384x48xf32, #tpu.memory_space<hbm>> -> memref<16384x48xf32, #tpu.memory_space<hbm>>
    tpu.enqueue_indirect_dma source(%dma_start3A_49 : memref<16384x48xf32, #tpu.memory_space<hbm>>) target(%dma_start3A_44 : memref<128x48xf32, #tpu.memory_space<vmem>>) offsets(%dma_start3A_46 : memref<128xi32, #tpu.memory_space<vmem>>) semaphore(%arg7 : memref<!tpu.dma_semaphore, #tpu.memory_space<semaphore_mem>>)
    %dma_start3A_50 = arith.constant 768 : i32
    %dma_start3A_51 = arith.constant 0 : i32
    %dma_start3A_52 = tpu.memref_slice %arg6[%dma_start3A_50, %dma_start3A_51] : memref<2048x48xf32, #tpu.memory_space<vmem>> -> memref<128x48xf32, #tpu.memory_space<vmem>>
    %dma_start3A_53 = arith.constant 768 : i32
    %dma_start3A_54 = tpu.memref_slice %arg5[%dma_start3A_53] : memref<2048xi32, #tpu.memory_space<vmem>> -> memref<128xi32, #tpu.memory_space<vmem>>
    %dma_start3A_55 = arith.constant 0 : i32
    %dma_start3A_56 = arith.constant 0 : i32
    %dma_start3A_57 = tpu.memref_slice %arg2[%dma_start3A_55, %dma_start3A_56] : memref<16384x48xf32, #tpu.memory_space<hbm>> -> memref<16384x48xf32, #tpu.memory_space<hbm>>
    tpu.enqueue_indirect_dma source(%dma_start3A_57 : memref<16384x48xf32, #tpu.memory_space<hbm>>) target(%dma_start3A_52 : memref<128x48xf32, #tpu.memory_space<vmem>>) offsets(%dma_start3A_54 : memref<128xi32, #tpu.memory_space<vmem>>) semaphore(%arg7 : memref<!tpu.dma_semaphore, #tpu.memory_space<semaphore_mem>>)
    %dma_start3A_58 = arith.constant 896 : i32
    %dma_start3A_59 = arith.constant 0 : i32
    %dma_start3A_60 = tpu.memref_slice %arg6[%dma_start3A_58, %dma_start3A_59] : memref<2048x48xf32, #tpu.memory_space<vmem>> -> memref<128x48xf32, #tpu.memory_space<vmem>>
    %dma_start3A_61 = arith.constant 896 : i32
    %dma_start3A_62 = tpu.memref_slice %arg5[%dma_start3A_61] : memref<2048xi32, #tpu.memory_space<vmem>> -> memref<128xi32, #tpu.memory_space<vmem>>
    %dma_start3A_63 = arith.constant 0 : i32
    %dma_start3A_64 = arith.constant 0 : i32
    %dma_start3A_65 = tpu.memref_slice %arg2[%dma_start3A_63, %dma_start3A_64] : memref<16384x48xf32, #tpu.memory_space<hbm>> -> memref<16384x48xf32, #tpu.memory_space<hbm>>
    tpu.enqueue_indirect_dma source(%dma_start3A_65 : memref<16384x48xf32, #tpu.memory_space<hbm>>) target(%dma_start3A_60 : memref<128x48xf32, #tpu.memory_space<vmem>>) offsets(%dma_start3A_62 : memref<128xi32, #tpu.memory_space<vmem>>) semaphore(%arg7 : memref<!tpu.dma_semaphore, #tpu.memory_space<semaphore_mem>>)
    %dma_start3A_66 = arith.constant 1024 : i32
    %dma_start3A_67 = arith.constant 0 : i32
    %dma_start3A_68 = tpu.memref_slice %arg6[%dma_start3A_66, %dma_start3A_67] : memref<2048x48xf32, #tpu.memory_space<vmem>> -> memref<128x48xf32, #tpu.memory_space<vmem>>
    %dma_start3A_69 = arith.constant 1024 : i32
    %dma_start3A_70 = tpu.memref_slice %arg5[%dma_start3A_69] : memref<2048xi32, #tpu.memory_space<vmem>> -> memref<128xi32, #tpu.memory_space<vmem>>
    %dma_start3A_71 = arith.constant 0 : i32
    %dma_start3A_72 = arith.constant 0 : i32
    %dma_start3A_73 = tpu.memref_slice %arg2[%dma_start3A_71, %dma_start3A_72] : memref<16384x48xf32, #tpu.memory_space<hbm>> -> memref<16384x48xf32, #tpu.memory_space<hbm>>
    tpu.enqueue_indirect_dma source(%dma_start3A_73 : memref<16384x48xf32, #tpu.memory_space<hbm>>) target(%dma_start3A_68 : memref<128x48xf32, #tpu.memory_space<vmem>>) offsets(%dma_start3A_70 : memref<128xi32, #tpu.memory_space<vmem>>) semaphore(%arg7 : memref<!tpu.dma_semaphore, #tpu.memory_space<semaphore_mem>>)
    %dma_start3A_74 = arith.constant 1152 : i32
    %dma_start3A_75 = arith.constant 0 : i32
    %dma_start3A_76 = tpu.memref_slice %arg6[%dma_start3A_74, %dma_start3A_75] : memref<2048x48xf32, #tpu.memory_space<vmem>> -> memref<128x48xf32, #tpu.memory_space<vmem>>
    %dma_start3A_77 = arith.constant 1152 : i32
    %dma_start3A_78 = tpu.memref_slice %arg5[%dma_start3A_77] : memref<2048xi32, #tpu.memory_space<vmem>> -> memref<128xi32, #tpu.memory_space<vmem>>
    %dma_start3A_79 = arith.constant 0 : i32
    %dma_start3A_80 = arith.constant 0 : i32
    %dma_start3A_81 = tpu.memref_slice %arg2[%dma_start3A_79, %dma_start3A_80] : memref<16384x48xf32, #tpu.memory_space<hbm>> -> memref<16384x48xf32, #tpu.memory_space<hbm>>
    tpu.enqueue_indirect_dma source(%dma_start3A_81 : memref<16384x48xf32, #tpu.memory_space<hbm>>) target(%dma_start3A_76 : memref<128x48xf32, #tpu.memory_space<vmem>>) offsets(%dma_start3A_78 : memref<128xi32, #tpu.memory_space<vmem>>) semaphore(%arg7 : memref<!tpu.dma_semaphore, #tpu.memory_space<semaphore_mem>>)
    %dma_start3A_82 = arith.constant 1280 : i32
    %dma_start3A_83 = arith.constant 0 : i32
    %dma_start3A_84 = tpu.memref_slice %arg6[%dma_start3A_82, %dma_start3A_83] : memref<2048x48xf32, #tpu.memory_space<vmem>> -> memref<128x48xf32, #tpu.memory_space<vmem>>
    %dma_start3A_85 = arith.constant 1280 : i32
    %dma_start3A_86 = tpu.memref_slice %arg5[%dma_start3A_85] : memref<2048xi32, #tpu.memory_space<vmem>> -> memref<128xi32, #tpu.memory_space<vmem>>
    %dma_start3A_87 = arith.constant 0 : i32
    %dma_start3A_88 = arith.constant 0 : i32
    %dma_start3A_89 = tpu.memref_slice %arg2[%dma_start3A_87, %dma_start3A_88] : memref<16384x48xf32, #tpu.memory_space<hbm>> -> memref<16384x48xf32, #tpu.memory_space<hbm>>
    tpu.enqueue_indirect_dma source(%dma_start3A_89 : memref<16384x48xf32, #tpu.memory_space<hbm>>) target(%dma_start3A_84 : memref<128x48xf32, #tpu.memory_space<vmem>>) offsets(%dma_start3A_86 : memref<128xi32, #tpu.memory_space<vmem>>) semaphore(%arg7 : memref<!tpu.dma_semaphore, #tpu.memory_space<semaphore_mem>>)
    %dma_start3A_90 = arith.constant 1408 : i32
    %dma_start3A_91 = arith.constant 0 : i32
    %dma_start3A_92 = tpu.memref_slice %arg6[%dma_start3A_90, %dma_start3A_91] : memref<2048x48xf32, #tpu.memory_space<vmem>> -> memref<128x48xf32, #tpu.memory_space<vmem>>
    %dma_start3A_93 = arith.constant 1408 : i32
    %dma_start3A_94 = tpu.memref_slice %arg5[%dma_start3A_93] : memref<2048xi32, #tpu.memory_space<vmem>> -> memref<128xi32, #tpu.memory_space<vmem>>
    %dma_start3A_95 = arith.constant 0 : i32
    %dma_start3A_96 = arith.constant 0 : i32
    %dma_start3A_97 = tpu.memref_slice %arg2[%dma_start3A_95, %dma_start3A_96] : memref<16384x48xf32, #tpu.memory_space<hbm>> -> memref<16384x48xf32, #tpu.memory_space<hbm>>
    tpu.enqueue_indirect_dma source(%dma_start3A_97 : memref<16384x48xf32, #tpu.memory_space<hbm>>) target(%dma_start3A_92 : memref<128x48xf32, #tpu.memory_space<vmem>>) offsets(%dma_start3A_94 : memref<128xi32, #tpu.memory_space<vmem>>) semaphore(%arg7 : memref<!tpu.dma_semaphore, #tpu.memory_space<semaphore_mem>>)
    %dma_start3A_98 = arith.constant 1536 : i32
    %dma_start3A_99 = arith.constant 0 : i32
    %dma_start3A_100 = tpu.memref_slice %arg6[%dma_start3A_98, %dma_start3A_99] : memref<2048x48xf32, #tpu.memory_space<vmem>> -> memref<128x48xf32, #tpu.memory_space<vmem>>
    %dma_start3A_101 = arith.constant 1536 : i32
    %dma_start3A_102 = tpu.memref_slice %arg5[%dma_start3A_101] : memref<2048xi32, #tpu.memory_space<vmem>> -> memref<128xi32, #tpu.memory_space<vmem>>
    %dma_start3A_103 = arith.constant 0 : i32
    %dma_start3A_104 = arith.constant 0 : i32
    %dma_start3A_105 = tpu.memref_slice %arg2[%dma_start3A_103, %dma_start3A_104] : memref<16384x48xf32, #tpu.memory_space<hbm>> -> memref<16384x48xf32, #tpu.memory_space<hbm>>
    tpu.enqueue_indirect_dma source(%dma_start3A_105 : memref<16384x48xf32, #tpu.memory_space<hbm>>) target(%dma_start3A_100 : memref<128x48xf32, #tpu.memory_space<vmem>>) offsets(%dma_start3A_102 : memref<128xi32, #tpu.memory_space<vmem>>) semaphore(%arg7 : memref<!tpu.dma_semaphore, #tpu.memory_space<semaphore_mem>>)
    %dma_start3A_106 = arith.constant 1664 : i32
    %dma_start3A_107 = arith.constant 0 : i32
    %dma_start3A_108 = tpu.memref_slice %arg6[%dma_start3A_106, %dma_start3A_107] : memref<2048x48xf32, #tpu.memory_space<vmem>> -> memref<128x48xf32, #tpu.memory_space<vmem>>
    %dma_start3A_109 = arith.constant 1664 : i32
    %dma_start3A_110 = tpu.memref_slice %arg5[%dma_start3A_109] : memref<2048xi32, #tpu.memory_space<vmem>> -> memref<128xi32, #tpu.memory_space<vmem>>
    %dma_start3A_111 = arith.constant 0 : i32
    %dma_start3A_112 = arith.constant 0 : i32
    %dma_start3A_113 = tpu.memref_slice %arg2[%dma_start3A_111, %dma_start3A_112] : memref<16384x48xf32, #tpu.memory_space<hbm>> -> memref<16384x48xf32, #tpu.memory_space<hbm>>
    tpu.enqueue_indirect_dma source(%dma_start3A_113 : memref<16384x48xf32, #tpu.memory_space<hbm>>) target(%dma_start3A_108 : memref<128x48xf32, #tpu.memory_space<vmem>>) offsets(%dma_start3A_110 : memref<128xi32, #tpu.memory_space<vmem>>) semaphore(%arg7 : memref<!tpu.dma_semaphore, #tpu.memory_space<semaphore_mem>>)
    %dma_start3A_114 = arith.constant 1792 : i32
    %dma_start3A_115 = arith.constant 0 : i32
    %dma_start3A_116 = tpu.memref_slice %arg6[%dma_start3A_114, %dma_start3A_115] : memref<2048x48xf32, #tpu.memory_space<vmem>> -> memref<128x48xf32, #tpu.memory_space<vmem>>
    %dma_start3A_117 = arith.constant 1792 : i32
    %dma_start3A_118 = tpu.memref_slice %arg5[%dma_start3A_117] : memref<2048xi32, #tpu.memory_space<vmem>> -> memref<128xi32, #tpu.memory_space<vmem>>
    %dma_start3A_119 = arith.constant 0 : i32
    %dma_start3A_120 = arith.constant 0 : i32
    %dma_start3A_121 = tpu.memref_slice %arg2[%dma_start3A_119, %dma_start3A_120] : memref<16384x48xf32, #tpu.memory_space<hbm>> -> memref<16384x48xf32, #tpu.memory_space<hbm>>
    tpu.enqueue_indirect_dma source(%dma_start3A_121 : memref<16384x48xf32, #tpu.memory_space<hbm>>) target(%dma_start3A_116 : memref<128x48xf32, #tpu.memory_space<vmem>>) offsets(%dma_start3A_118 : memref<128xi32, #tpu.memory_space<vmem>>) semaphore(%arg7 : memref<!tpu.dma_semaphore, #tpu.memory_space<semaphore_mem>>)
    %dma_start3A_122 = arith.constant 1920 : i32
    %dma_start3A_123 = arith.constant 0 : i32
    %dma_start3A_124 = tpu.memref_slice %arg6[%dma_start3A_122, %dma_start3A_123] : memref<2048x48xf32, #tpu.memory_space<vmem>> -> memref<128x48xf32, #tpu.memory_space<vmem>>
    %dma_start3A_125 = arith.constant 1920 : i32
    %dma_start3A_126 = tpu.memref_slice %arg5[%dma_start3A_125] : memref<2048xi32, #tpu.memory_space<vmem>> -> memref<128xi32, #tpu.memory_space<vmem>>
    %dma_start3A_127 = arith.constant 0 : i32
    %dma_start3A_128 = arith.constant 0 : i32
    %dma_start3A_129 = tpu.memref_slice %arg2[%dma_start3A_127, %dma_start3A_128] : memref<16384x48xf32, #tpu.memory_space<hbm>> -> memref<16384x48xf32, #tpu.memory_space<hbm>>
    tpu.enqueue_indirect_dma source(%dma_start3A_129 : memref<16384x48xf32, #tpu.memory_space<hbm>>) target(%dma_start3A_124 : memref<128x48xf32, #tpu.memory_space<vmem>>) offsets(%dma_start3A_126 : memref<128xi32, #tpu.memory_space<vmem>>) semaphore(%arg7 : memref<!tpu.dma_semaphore, #tpu.memory_space<semaphore_mem>>)
    %dma_wait3A = arith.constant 0 : i32
    %dma_wait3A_130 = arith.constant 0 : i32
    %dma_wait3A_131 = tpu.memref_slice %arg6[%dma_wait3A, %dma_wait3A_130] : memref<2048x48xf32, #tpu.memory_space<vmem>> -> memref<128x48xf32, #tpu.memory_space<vmem>>
    %dma_wait3A_132 = arith.constant 0 : i32
    %dma_wait3A_133 = tpu.memref_slice %arg5[%dma_wait3A_132] : memref<2048xi32, #tpu.memory_space<vmem>> -> memref<128xi32, #tpu.memory_space<vmem>>
    %dma_wait3A_134 = arith.constant 0 : i32
    %dma_wait3A_135 = arith.constant 0 : i32
    %dma_wait3A_136 = tpu.memref_slice %arg2[%dma_wait3A_134, %dma_wait3A_135] : memref<16384x48xf32, #tpu.memory_space<hbm>> -> memref<16384x48xf32, #tpu.memory_space<hbm>>
    tpu.wait_indirect_dma semaphore(%arg7 : memref<!tpu.dma_semaphore, #tpu.memory_space<semaphore_mem>>) src(%dma_wait3A_136 : memref<16384x48xf32, #tpu.memory_space<hbm>>) dst(%dma_wait3A_131 : memref<128x48xf32, #tpu.memory_space<vmem>>)
    %dma_wait3A_137 = arith.constant 128 : i32
    %dma_wait3A_138 = arith.constant 0 : i32
    %dma_wait3A_139 = tpu.memref_slice %arg6[%dma_wait3A_137, %dma_wait3A_138] : memref<2048x48xf32, #tpu.memory_space<vmem>> -> memref<128x48xf32, #tpu.memory_space<vmem>>
    %dma_wait3A_140 = arith.constant 128 : i32
    %dma_wait3A_141 = tpu.memref_slice %arg5[%dma_wait3A_140] : memref<2048xi32, #tpu.memory_space<vmem>> -> memref<128xi32, #tpu.memory_space<vmem>>
    %dma_wait3A_142 = arith.constant 0 : i32
    %dma_wait3A_143 = arith.constant 0 : i32
    %dma_wait3A_144 = tpu.memref_slice %arg2[%dma_wait3A_142, %dma_wait3A_143] : memref<16384x48xf32, #tpu.memory_space<hbm>> -> memref<16384x48xf32, #tpu.memory_space<hbm>>
    tpu.wait_indirect_dma semaphore(%arg7 : memref<!tpu.dma_semaphore, #tpu.memory_space<semaphore_mem>>) src(%dma_wait3A_144 : memref<16384x48xf32, #tpu.memory_space<hbm>>) dst(%dma_wait3A_139 : memref<128x48xf32, #tpu.memory_space<vmem>>)
    %dma_wait3A_145 = arith.constant 256 : i32
    %dma_wait3A_146 = arith.constant 0 : i32
    %dma_wait3A_147 = tpu.memref_slice %arg6[%dma_wait3A_145, %dma_wait3A_146] : memref<2048x48xf32, #tpu.memory_space<vmem>> -> memref<128x48xf32, #tpu.memory_space<vmem>>
    %dma_wait3A_148 = arith.constant 256 : i32
    %dma_wait3A_149 = tpu.memref_slice %arg5[%dma_wait3A_148] : memref<2048xi32, #tpu.memory_space<vmem>> -> memref<128xi32, #tpu.memory_space<vmem>>
    %dma_wait3A_150 = arith.constant 0 : i32
    %dma_wait3A_151 = arith.constant 0 : i32
    %dma_wait3A_152 = tpu.memref_slice %arg2[%dma_wait3A_150, %dma_wait3A_151] : memref<16384x48xf32, #tpu.memory_space<hbm>> -> memref<16384x48xf32, #tpu.memory_space<hbm>>
    tpu.wait_indirect_dma semaphore(%arg7 : memref<!tpu.dma_semaphore, #tpu.memory_space<semaphore_mem>>) src(%dma_wait3A_152 : memref<16384x48xf32, #tpu.memory_space<hbm>>) dst(%dma_wait3A_147 : memref<128x48xf32, #tpu.memory_space<vmem>>)
    %dma_wait3A_153 = arith.constant 384 : i32
    %dma_wait3A_154 = arith.constant 0 : i32
    %dma_wait3A_155 = tpu.memref_slice %arg6[%dma_wait3A_153, %dma_wait3A_154] : memref<2048x48xf32, #tpu.memory_space<vmem>> -> memref<128x48xf32, #tpu.memory_space<vmem>>
    %dma_wait3A_156 = arith.constant 384 : i32
    %dma_wait3A_157 = tpu.memref_slice %arg5[%dma_wait3A_156] : memref<2048xi32, #tpu.memory_space<vmem>> -> memref<128xi32, #tpu.memory_space<vmem>>
    %dma_wait3A_158 = arith.constant 0 : i32
    %dma_wait3A_159 = arith.constant 0 : i32
    %dma_wait3A_160 = tpu.memref_slice %arg2[%dma_wait3A_158, %dma_wait3A_159] : memref<16384x48xf32, #tpu.memory_space<hbm>> -> memref<16384x48xf32, #tpu.memory_space<hbm>>
    tpu.wait_indirect_dma semaphore(%arg7 : memref<!tpu.dma_semaphore, #tpu.memory_space<semaphore_mem>>) src(%dma_wait3A_160 : memref<16384x48xf32, #tpu.memory_space<hbm>>) dst(%dma_wait3A_155 : memref<128x48xf32, #tpu.memory_space<vmem>>)
    %dma_wait3A_161 = arith.constant 512 : i32
    %dma_wait3A_162 = arith.constant 0 : i32
    %dma_wait3A_163 = tpu.memref_slice %arg6[%dma_wait3A_161, %dma_wait3A_162] : memref<2048x48xf32, #tpu.memory_space<vmem>> -> memref<128x48xf32, #tpu.memory_space<vmem>>
    %dma_wait3A_164 = arith.constant 512 : i32
    %dma_wait3A_165 = tpu.memref_slice %arg5[%dma_wait3A_164] : memref<2048xi32, #tpu.memory_space<vmem>> -> memref<128xi32, #tpu.memory_space<vmem>>
    %dma_wait3A_166 = arith.constant 0 : i32
    %dma_wait3A_167 = arith.constant 0 : i32
    %dma_wait3A_168 = tpu.memref_slice %arg2[%dma_wait3A_166, %dma_wait3A_167] : memref<16384x48xf32, #tpu.memory_space<hbm>> -> memref<16384x48xf32, #tpu.memory_space<hbm>>
    tpu.wait_indirect_dma semaphore(%arg7 : memref<!tpu.dma_semaphore, #tpu.memory_space<semaphore_mem>>) src(%dma_wait3A_168 : memref<16384x48xf32, #tpu.memory_space<hbm>>) dst(%dma_wait3A_163 : memref<128x48xf32, #tpu.memory_space<vmem>>)
    %dma_wait3A_169 = arith.constant 640 : i32
    %dma_wait3A_170 = arith.constant 0 : i32
    %dma_wait3A_171 = tpu.memref_slice %arg6[%dma_wait3A_169, %dma_wait3A_170] : memref<2048x48xf32, #tpu.memory_space<vmem>> -> memref<128x48xf32, #tpu.memory_space<vmem>>
    %dma_wait3A_172 = arith.constant 640 : i32
    %dma_wait3A_173 = tpu.memref_slice %arg5[%dma_wait3A_172] : memref<2048xi32, #tpu.memory_space<vmem>> -> memref<128xi32, #tpu.memory_space<vmem>>
    %dma_wait3A_174 = arith.constant 0 : i32
    %dma_wait3A_175 = arith.constant 0 : i32
    %dma_wait3A_176 = tpu.memref_slice %arg2[%dma_wait3A_174, %dma_wait3A_175] : memref<16384x48xf32, #tpu.memory_space<hbm>> -> memref<16384x48xf32, #tpu.memory_space<hbm>>
    tpu.wait_indirect_dma semaphore(%arg7 : memref<!tpu.dma_semaphore, #tpu.memory_space<semaphore_mem>>) src(%dma_wait3A_176 : memref<16384x48xf32, #tpu.memory_space<hbm>>) dst(%dma_wait3A_171 : memref<128x48xf32, #tpu.memory_space<vmem>>)
    %dma_wait3A_177 = arith.constant 768 : i32
    %dma_wait3A_178 = arith.constant 0 : i32
    %dma_wait3A_179 = tpu.memref_slice %arg6[%dma_wait3A_177, %dma_wait3A_178] : memref<2048x48xf32, #tpu.memory_space<vmem>> -> memref<128x48xf32, #tpu.memory_space<vmem>>
    %dma_wait3A_180 = arith.constant 768 : i32
    %dma_wait3A_181 = tpu.memref_slice %arg5[%dma_wait3A_180] : memref<2048xi32, #tpu.memory_space<vmem>> -> memref<128xi32, #tpu.memory_space<vmem>>
    %dma_wait3A_182 = arith.constant 0 : i32
    %dma_wait3A_183 = arith.constant 0 : i32
    %dma_wait3A_184 = tpu.memref_slice %arg2[%dma_wait3A_182, %dma_wait3A_183] : memref<16384x48xf32, #tpu.memory_space<hbm>> -> memref<16384x48xf32, #tpu.memory_space<hbm>>
    tpu.wait_indirect_dma semaphore(%arg7 : memref<!tpu.dma_semaphore, #tpu.memory_space<semaphore_mem>>) src(%dma_wait3A_184 : memref<16384x48xf32, #tpu.memory_space<hbm>>) dst(%dma_wait3A_179 : memref<128x48xf32, #tpu.memory_space<vmem>>)
    %dma_wait3A_185 = arith.constant 896 : i32
    %dma_wait3A_186 = arith.constant 0 : i32
    %dma_wait3A_187 = tpu.memref_slice %arg6[%dma_wait3A_185, %dma_wait3A_186] : memref<2048x48xf32, #tpu.memory_space<vmem>> -> memref<128x48xf32, #tpu.memory_space<vmem>>
    %dma_wait3A_188 = arith.constant 896 : i32
    %dma_wait3A_189 = tpu.memref_slice %arg5[%dma_wait3A_188] : memref<2048xi32, #tpu.memory_space<vmem>> -> memref<128xi32, #tpu.memory_space<vmem>>
    %dma_wait3A_190 = arith.constant 0 : i32
    %dma_wait3A_191 = arith.constant 0 : i32
    %dma_wait3A_192 = tpu.memref_slice %arg2[%dma_wait3A_190, %dma_wait3A_191] : memref<16384x48xf32, #tpu.memory_space<hbm>> -> memref<16384x48xf32, #tpu.memory_space<hbm>>
    tpu.wait_indirect_dma semaphore(%arg7 : memref<!tpu.dma_semaphore, #tpu.memory_space<semaphore_mem>>) src(%dma_wait3A_192 : memref<16384x48xf32, #tpu.memory_space<hbm>>) dst(%dma_wait3A_187 : memref<128x48xf32, #tpu.memory_space<vmem>>)
    %dma_wait3A_193 = arith.constant 1024 : i32
    %dma_wait3A_194 = arith.constant 0 : i32
    %dma_wait3A_195 = tpu.memref_slice %arg6[%dma_wait3A_193, %dma_wait3A_194] : memref<2048x48xf32, #tpu.memory_space<vmem>> -> memref<128x48xf32, #tpu.memory_space<vmem>>
    %dma_wait3A_196 = arith.constant 1024 : i32
    %dma_wait3A_197 = tpu.memref_slice %arg5[%dma_wait3A_196] : memref<2048xi32, #tpu.memory_space<vmem>> -> memref<128xi32, #tpu.memory_space<vmem>>
    %dma_wait3A_198 = arith.constant 0 : i32
    %dma_wait3A_199 = arith.constant 0 : i32
    %dma_wait3A_200 = tpu.memref_slice %arg2[%dma_wait3A_198, %dma_wait3A_199] : memref<16384x48xf32, #tpu.memory_space<hbm>> -> memref<16384x48xf32, #tpu.memory_space<hbm>>
    tpu.wait_indirect_dma semaphore(%arg7 : memref<!tpu.dma_semaphore, #tpu.memory_space<semaphore_mem>>) src(%dma_wait3A_200 : memref<16384x48xf32, #tpu.memory_space<hbm>>) dst(%dma_wait3A_195 : memref<128x48xf32, #tpu.memory_space<vmem>>)
    %dma_wait3A_201 = arith.constant 1152 : i32
    %dma_wait3A_202 = arith.constant 0 : i32
    %dma_wait3A_203 = tpu.memref_slice %arg6[%dma_wait3A_201, %dma_wait3A_202] : memref<2048x48xf32, #tpu.memory_space<vmem>> -> memref<128x48xf32, #tpu.memory_space<vmem>>
    %dma_wait3A_204 = arith.constant 1152 : i32
    %dma_wait3A_205 = tpu.memref_slice %arg5[%dma_wait3A_204] : memref<2048xi32, #tpu.memory_space<vmem>> -> memref<128xi32, #tpu.memory_space<vmem>>
    %dma_wait3A_206 = arith.constant 0 : i32
    %dma_wait3A_207 = arith.constant 0 : i32
    %dma_wait3A_208 = tpu.memref_slice %arg2[%dma_wait3A_206, %dma_wait3A_207] : memref<16384x48xf32, #tpu.memory_space<hbm>> -> memref<16384x48xf32, #tpu.memory_space<hbm>>
    tpu.wait_indirect_dma semaphore(%arg7 : memref<!tpu.dma_semaphore, #tpu.memory_space<semaphore_mem>>) src(%dma_wait3A_208 : memref<16384x48xf32, #tpu.memory_space<hbm>>) dst(%dma_wait3A_203 : memref<128x48xf32, #tpu.memory_space<vmem>>)
    %dma_wait3A_209 = arith.constant 1280 : i32
    %dma_wait3A_210 = arith.constant 0 : i32
    %dma_wait3A_211 = tpu.memref_slice %arg6[%dma_wait3A_209, %dma_wait3A_210] : memref<2048x48xf32, #tpu.memory_space<vmem>> -> memref<128x48xf32, #tpu.memory_space<vmem>>
    %dma_wait3A_212 = arith.constant 1280 : i32
    %dma_wait3A_213 = tpu.memref_slice %arg5[%dma_wait3A_212] : memref<2048xi32, #tpu.memory_space<vmem>> -> memref<128xi32, #tpu.memory_space<vmem>>
    %dma_wait3A_214 = arith.constant 0 : i32
    %dma_wait3A_215 = arith.constant 0 : i32
    %dma_wait3A_216 = tpu.memref_slice %arg2[%dma_wait3A_214, %dma_wait3A_215] : memref<16384x48xf32, #tpu.memory_space<hbm>> -> memref<16384x48xf32, #tpu.memory_space<hbm>>
    tpu.wait_indirect_dma semaphore(%arg7 : memref<!tpu.dma_semaphore, #tpu.memory_space<semaphore_mem>>) src(%dma_wait3A_216 : memref<16384x48xf32, #tpu.memory_space<hbm>>) dst(%dma_wait3A_211 : memref<128x48xf32, #tpu.memory_space<vmem>>)
    %dma_wait3A_217 = arith.constant 1408 : i32
    %dma_wait3A_218 = arith.constant 0 : i32
    %dma_wait3A_219 = tpu.memref_slice %arg6[%dma_wait3A_217, %dma_wait3A_218] : memref<2048x48xf32, #tpu.memory_space<vmem>> -> memref<128x48xf32, #tpu.memory_space<vmem>>
    %dma_wait3A_220 = arith.constant 1408 : i32
    %dma_wait3A_221 = tpu.memref_slice %arg5[%dma_wait3A_220] : memref<2048xi32, #tpu.memory_space<vmem>> -> memref<128xi32, #tpu.memory_space<vmem>>
    %dma_wait3A_222 = arith.constant 0 : i32
    %dma_wait3A_223 = arith.constant 0 : i32
    %dma_wait3A_224 = tpu.memref_slice %arg2[%dma_wait3A_222, %dma_wait3A_223] : memref<16384x48xf32, #tpu.memory_space<hbm>> -> memref<16384x48xf32, #tpu.memory_space<hbm>>
    tpu.wait_indirect_dma semaphore(%arg7 : memref<!tpu.dma_semaphore, #tpu.memory_space<semaphore_mem>>) src(%dma_wait3A_224 : memref<16384x48xf32, #tpu.memory_space<hbm>>) dst(%dma_wait3A_219 : memref<128x48xf32, #tpu.memory_space<vmem>>)
    %dma_wait3A_225 = arith.constant 1536 : i32
    %dma_wait3A_226 = arith.constant 0 : i32
    %dma_wait3A_227 = tpu.memref_slice %arg6[%dma_wait3A_225, %dma_wait3A_226] : memref<2048x48xf32, #tpu.memory_space<vmem>> -> memref<128x48xf32, #tpu.memory_space<vmem>>
    %dma_wait3A_228 = arith.constant 1536 : i32
    %dma_wait3A_229 = tpu.memref_slice %arg5[%dma_wait3A_228] : memref<2048xi32, #tpu.memory_space<vmem>> -> memref<128xi32, #tpu.memory_space<vmem>>
    %dma_wait3A_230 = arith.constant 0 : i32
    %dma_wait3A_231 = arith.constant 0 : i32
    %dma_wait3A_232 = tpu.memref_slice %arg2[%dma_wait3A_230, %dma_wait3A_231] : memref<16384x48xf32, #tpu.memory_space<hbm>> -> memref<16384x48xf32, #tpu.memory_space<hbm>>
    tpu.wait_indirect_dma semaphore(%arg7 : memref<!tpu.dma_semaphore, #tpu.memory_space<semaphore_mem>>) src(%dma_wait3A_232 : memref<16384x48xf32, #tpu.memory_space<hbm>>) dst(%dma_wait3A_227 : memref<128x48xf32, #tpu.memory_space<vmem>>)
    %dma_wait3A_233 = arith.constant 1664 : i32
    %dma_wait3A_234 = arith.constant 0 : i32
    %dma_wait3A_235 = tpu.memref_slice %arg6[%dma_wait3A_233, %dma_wait3A_234] : memref<2048x48xf32, #tpu.memory_space<vmem>> -> memref<128x48xf32, #tpu.memory_space<vmem>>
    %dma_wait3A_236 = arith.constant 1664 : i32
    %dma_wait3A_237 = tpu.memref_slice %arg5[%dma_wait3A_236] : memref<2048xi32, #tpu.memory_space<vmem>> -> memref<128xi32, #tpu.memory_space<vmem>>
    %dma_wait3A_238 = arith.constant 0 : i32
    %dma_wait3A_239 = arith.constant 0 : i32
    %dma_wait3A_240 = tpu.memref_slice %arg2[%dma_wait3A_238, %dma_wait3A_239] : memref<16384x48xf32, #tpu.memory_space<hbm>> -> memref<16384x48xf32, #tpu.memory_space<hbm>>
    tpu.wait_indirect_dma semaphore(%arg7 : memref<!tpu.dma_semaphore, #tpu.memory_space<semaphore_mem>>) src(%dma_wait3A_240 : memref<16384x48xf32, #tpu.memory_space<hbm>>) dst(%dma_wait3A_235 : memref<128x48xf32, #tpu.memory_space<vmem>>)
    %dma_wait3A_241 = arith.constant 1792 : i32
    %dma_wait3A_242 = arith.constant 0 : i32
    %dma_wait3A_243 = tpu.memref_slice %arg6[%dma_wait3A_241, %dma_wait3A_242] : memref<2048x48xf32, #tpu.memory_space<vmem>> -> memref<128x48xf32, #tpu.memory_space<vmem>>
    %dma_wait3A_244 = arith.constant 1792 : i32
    %dma_wait3A_245 = tpu.memref_slice %arg5[%dma_wait3A_244] : memref<2048xi32, #tpu.memory_space<vmem>> -> memref<128xi32, #tpu.memory_space<vmem>>
    %dma_wait3A_246 = arith.constant 0 : i32
    %dma_wait3A_247 = arith.constant 0 : i32
    %dma_wait3A_248 = tpu.memref_slice %arg2[%dma_wait3A_246, %dma_wait3A_247] : memref<16384x48xf32, #tpu.memory_space<hbm>> -> memref<16384x48xf32, #tpu.memory_space<hbm>>
    tpu.wait_indirect_dma semaphore(%arg7 : memref<!tpu.dma_semaphore, #tpu.memory_space<semaphore_mem>>) src(%dma_wait3A_248 : memref<16384x48xf32, #tpu.memory_space<hbm>>) dst(%dma_wait3A_243 : memref<128x48xf32, #tpu.memory_space<vmem>>)
    %dma_wait3A_249 = arith.constant 1920 : i32
    %dma_wait3A_250 = arith.constant 0 : i32
    %dma_wait3A_251 = tpu.memref_slice %arg6[%dma_wait3A_249, %dma_wait3A_250] : memref<2048x48xf32, #tpu.memory_space<vmem>> -> memref<128x48xf32, #tpu.memory_space<vmem>>
    %dma_wait3A_252 = arith.constant 1920 : i32
    %dma_wait3A_253 = tpu.memref_slice %arg5[%dma_wait3A_252] : memref<2048xi32, #tpu.memory_space<vmem>> -> memref<128xi32, #tpu.memory_space<vmem>>
    %dma_wait3A_254 = arith.constant 0 : i32
    %dma_wait3A_255 = arith.constant 0 : i32
    %dma_wait3A_256 = tpu.memref_slice %arg2[%dma_wait3A_254, %dma_wait3A_255] : memref<16384x48xf32, #tpu.memory_space<hbm>> -> memref<16384x48xf32, #tpu.memory_space<hbm>>
    tpu.wait_indirect_dma semaphore(%arg7 : memref<!tpu.dma_semaphore, #tpu.memory_space<semaphore_mem>>) src(%dma_wait3A_256 : memref<16384x48xf32, #tpu.memory_space<hbm>>) dst(%dma_wait3A_251 : memref<128x48xf32, #tpu.memory_space<vmem>>)
    "tpu.region"() ({
      %run_scoped3A = tpu.sem_alloc : memref<!tpu.dma_semaphore, #tpu.memory_space<semaphore_mem>>
      %dma_start3A_257 = arith.constant 0 : i32
      %dma_start3A_258 = tpu.memref_slice %arg4[%mul3A_2, %dma_start3A_257] : memref<65536x48xf32, #tpu.memory_space<hbm>> -> memref<2048x48xf32, #tpu.memory_space<hbm>>
      %dma_start3A_259 = arith.constant 0 : i32
      %dma_start3A_260 = tpu.memref_slice %arg4[%mul3A_2, %dma_start3A_259] : memref<65536x48xf32, #tpu.memory_space<hbm>> -> memref<2048x48xf32, #tpu.memory_space<hbm>>
      tpu.enqueue_dma source(%arg6 : memref<2048x48xf32, #tpu.memory_space<vmem>>) target(%dma_start3A_260 : memref<2048x48xf32, #tpu.memory_space<hbm>>) target_semaphore(%run_scoped3A : memref<!tpu.dma_semaphore, #tpu.memory_space<semaphore_mem>>)
      %dma_wait3A_261 = arith.constant 0 : i32
      %dma_wait3A_262 = tpu.memref_slice %arg4[%mul3A_2, %dma_wait3A_261] : memref<65536x48xf32, #tpu.memory_space<hbm>> -> memref<2048x48xf32, #tpu.memory_space<hbm>>
      %dma_wait3A_263 = arith.constant 0 : i32
      %dma_wait3A_264 = tpu.memref_slice %arg4[%mul3A_2, %dma_wait3A_263] : memref<65536x48xf32, #tpu.memory_space<hbm>> -> memref<2048x48xf32, #tpu.memory_space<hbm>>
      tpu.wait_dma2 semaphore(%run_scoped3A : memref<!tpu.dma_semaphore, #tpu.memory_space<semaphore_mem>>) src(%arg6 : memref<2048x48xf32, #tpu.memory_space<vmem>>) dst(%dma_wait3A_264 : memref<2048x48xf32, #tpu.memory_space<hbm>>)
      tpu.yield
    }) : () -> ()
    return
  }
}

#map = affine_map<(d0, d1) -> (0, 0)>
#map1 = affine_map<(d0, d1) -> (0)>
module attributes {stable_mosaic.version = 14 : i64} {
  func.func @k(%arg0: i32, %arg1: i32, %arg2: memref<16384x48xf32, #tpu.memory_space<hbm>>, %arg3: memref<2048xi32, #tpu.memory_space<hbm>>, %arg4: memref<2048x48xf32, #tpu.memory_space<hbm>>, %arg5: memref<64xi32, #tpu.memory_space<vmem>>, %arg6: memref<64x48xf32, #tpu.memory_space<vmem>>, %arg7: memref<!tpu.dma_semaphore, #tpu.memory_space<semaphore_mem>>) attributes {dimension_semantics = [#tpu.dimension_semantics<core_parallel>, #tpu.dimension_semantics<subcore_parallel>], iteration_bounds = array<i64: 2, 16>, scalar_prefetch = 0 : i64, scratch_operands = 3 : i64, tpu.core_type = #tpu.core_type<sc_vector_subcore>, window_params = [{transform_indices = #map}, {transform_indices = #map1}, {transform_indices = #map}]} {
    %mul3A = arith.constant 2 : i32
    %mul3A_0 = arith.muli %arg1, %mul3A : i32
    %add3A = arith.addi %mul3A_0, %arg0 : i32
    %mul3A_1 = arith.constant 64 : i32
    %mul3A_2 = arith.muli %add3A, %mul3A_1 : i32
    "tpu.region"() ({
      %run_scoped3A = tpu.sem_alloc : memref<!tpu.dma_semaphore, #tpu.memory_space<semaphore_mem>>
      %dma_start3A_17 = tpu.memref_slice %arg3[%mul3A_2] : memref<2048xi32, #tpu.memory_space<hbm>> -> memref<64xi32, #tpu.memory_space<hbm>>
      %dma_start3A_18 = tpu.memref_slice %arg3[%mul3A_2] : memref<2048xi32, #tpu.memory_space<hbm>> -> memref<64xi32, #tpu.memory_space<hbm>>
      tpu.enqueue_dma source(%dma_start3A_18 : memref<64xi32, #tpu.memory_space<hbm>>) target(%arg5 : memref<64xi32, #tpu.memory_space<vmem>>) target_semaphore(%run_scoped3A : memref<!tpu.dma_semaphore, #tpu.memory_space<semaphore_mem>>)
      %dma_wait3A_19 = tpu.memref_slice %arg3[%mul3A_2] : memref<2048xi32, #tpu.memory_space<hbm>> -> memref<64xi32, #tpu.memory_space<hbm>>
      %dma_wait3A_20 = tpu.memref_slice %arg3[%mul3A_2] : memref<2048xi32, #tpu.memory_space<hbm>> -> memref<64xi32, #tpu.memory_space<hbm>>
      tpu.wait_dma2 semaphore(%run_scoped3A : memref<!tpu.dma_semaphore, #tpu.memory_space<semaphore_mem>>) src(%dma_wait3A_20 : memref<64xi32, #tpu.memory_space<hbm>>) dst(%arg5 : memref<64xi32, #tpu.memory_space<vmem>>)
      tpu.yield
    }) : () -> ()
    %dma_start3A = arith.constant 0 : i32
    %dma_start3A_3 = arith.constant 0 : i32
    %dma_start3A_4 = tpu.memref_slice %arg6[%dma_start3A, %dma_start3A_3] : memref<64x48xf32, #tpu.memory_space<vmem>> -> memref<64x48xf32, #tpu.memory_space<vmem>>
    %dma_start3A_5 = arith.constant 0 : i32
    %dma_start3A_6 = tpu.memref_slice %arg5[%dma_start3A_5] : memref<64xi32, #tpu.memory_space<vmem>> -> memref<64xi32, #tpu.memory_space<vmem>>
    %dma_start3A_7 = arith.constant 0 : i32
    %dma_start3A_8 = arith.constant 0 : i32
    %dma_start3A_9 = tpu.memref_slice %arg2[%dma_start3A_7, %dma_start3A_8] : memref<16384x48xf32, #tpu.memory_space<hbm>> -> memref<16384x48xf32, #tpu.memory_space<hbm>>
    tpu.enqueue_indirect_dma source(%dma_start3A_9 : memref<16384x48xf32, #tpu.memory_space<hbm>>) target(%dma_start3A_4 : memref<64x48xf32, #tpu.memory_space<vmem>>) offsets(%dma_start3A_6 : memref<64xi32, #tpu.memory_space<vmem>>) semaphore(%arg7 : memref<!tpu.dma_semaphore, #tpu.memory_space<semaphore_mem>>)
    %dma_wait3A = arith.constant 0 : i32
    %dma_wait3A_10 = arith.constant 0 : i32
    %dma_wait3A_11 = tpu.memref_slice %arg6[%dma_wait3A, %dma_wait3A_10] : memref<64x48xf32, #tpu.memory_space<vmem>> -> memref<64x48xf32, #tpu.memory_space<vmem>>
    %dma_wait3A_12 = arith.constant 0 : i32
    %dma_wait3A_13 = tpu.memref_slice %arg5[%dma_wait3A_12] : memref<64xi32, #tpu.memory_space<vmem>> -> memref<64xi32, #tpu.memory_space<vmem>>
    %dma_wait3A_14 = arith.constant 0 : i32
    %dma_wait3A_15 = arith.constant 0 : i32
    %dma_wait3A_16 = tpu.memref_slice %arg2[%dma_wait3A_14, %dma_wait3A_15] : memref<16384x48xf32, #tpu.memory_space<hbm>> -> memref<16384x48xf32, #tpu.memory_space<hbm>>
    tpu.wait_indirect_dma semaphore(%arg7 : memref<!tpu.dma_semaphore, #tpu.memory_space<semaphore_mem>>) src(%dma_wait3A_16 : memref<16384x48xf32, #tpu.memory_space<hbm>>) dst(%dma_wait3A_11 : memref<64x48xf32, #tpu.memory_space<vmem>>)
    "tpu.region"() ({
      %run_scoped3A = tpu.sem_alloc : memref<!tpu.dma_semaphore, #tpu.memory_space<semaphore_mem>>
      %dma_start3A_17 = arith.constant 0 : i32
      %dma_start3A_18 = tpu.memref_slice %arg4[%mul3A_2, %dma_start3A_17] : memref<2048x48xf32, #tpu.memory_space<hbm>> -> memref<64x48xf32, #tpu.memory_space<hbm>>
      %dma_start3A_19 = arith.constant 0 : i32
      %dma_start3A_20 = tpu.memref_slice %arg4[%mul3A_2, %dma_start3A_19] : memref<2048x48xf32, #tpu.memory_space<hbm>> -> memref<64x48xf32, #tpu.memory_space<hbm>>
      tpu.enqueue_dma source(%arg6 : memref<64x48xf32, #tpu.memory_space<vmem>>) target(%dma_start3A_20 : memref<64x48xf32, #tpu.memory_space<hbm>>) target_semaphore(%run_scoped3A : memref<!tpu.dma_semaphore, #tpu.memory_space<semaphore_mem>>)
      %dma_wait3A_21 = arith.constant 0 : i32
      %dma_wait3A_22 = tpu.memref_slice %arg4[%mul3A_2, %dma_wait3A_21] : memref<2048x48xf32, #tpu.memory_space<hbm>> -> memref<64x48xf32, #tpu.memory_space<hbm>>
      %dma_wait3A_23 = arith.constant 0 : i32
      %dma_wait3A_24 = tpu.memref_slice %arg4[%mul3A_2, %dma_wait3A_23] : memref<2048x48xf32, #tpu.memory_space<hbm>> -> memref<64x48xf32, #tpu.memory_space<hbm>>
      tpu.wait_dma2 semaphore(%run_scoped3A : memref<!tpu.dma_semaphore, #tpu.memory_space<semaphore_mem>>) src(%arg6 : memref<64x48xf32, #tpu.memory_space<vmem>>) dst(%dma_wait3A_24 : memref<64x48xf32, #tpu.memory_space<hbm>>)
      tpu.yield
    }) : () -> ()
    return
  }
}

module attributes {stable_mosaic.version = 14 : i64} {
  func.func @_fps_body(%arg0: memref<2x3x64x128xf32, #tpu.memory_space<vmem>>, %arg1: memref<2x8x128xi32, #tpu.memory_space<vmem>>) attributes {dimension_semantics = [], scalar_prefetch = 0 : i64, scratch_operands = 0 : i64, tpu.core_type = #tpu.core_type<tc>} {
    %get3A = arith.constant 0 : index
    %get3A_0 = arith.constant 0 : index
    %get3A_1 = arith.constant 0 : index
    %get3A_2 = arith.constant 0 : index
    %get3A_3 = vector.load %arg0[%get3A, %get3A_0, %get3A_1, %get3A_2] : memref<2x3x64x128xf32, #tpu.memory_space<vmem>>, vector<2x3x64x128xf32>
    %iota3A = tpu.iota {dimensions = array<i32: 1>} : vector<2x64x128xi32>
    %mul3A = arith.constant 128 : i32
    %mul3A_4 = vector.broadcast %mul3A : i32 to vector<2x64x128xi32>
    %mul3A_5 = arith.muli %iota3A, %mul3A_4 : vector<2x64x128xi32>
    %iota3A_6 = tpu.iota {dimensions = array<i32: 2>} : vector<2x64x128xi32>
    %add3A = arith.addi %mul3A_5, %iota3A_6 : vector<2x64x128xi32>
    %iota3A_7 = tpu.iota {dimensions = array<i32: 1>} : vector<2x8x128xi32>
    %mul3A_8 = arith.constant 128 : i32
    %mul3A_9 = vector.broadcast %mul3A_8 : i32 to vector<2x8x128xi32>
    %mul3A_10 = arith.muli %iota3A_7, %mul3A_9 : vector<2x8x128xi32>
    %iota3A_11 = tpu.iota {dimensions = array<i32: 2>} : vector<2x8x128xi32>
    %add3A_12 = arith.addi %mul3A_10, %iota3A_11 : vector<2x8x128xi32>
    %broadcast_in_dim3A = arith.constant 1.000000e+10 : f32
    %broadcast_in_dim3A_13 = vector.broadcast %broadcast_in_dim3A : f32 to vector<2x64x128xf32>
    %broadcast_in_dim3A_14 = arith.constant 0 : i32
    %broadcast_in_dim3A_15 = vector.broadcast %broadcast_in_dim3A_14 : i32 to vector<2x8x128xi32>
    %broadcast_in_dim3A_16 = arith.constant 0 : i32
    %broadcast_in_dim3A_17 = vector.broadcast %broadcast_in_dim3A_16 : i32 to vector<2x1x1xi32>
    %scan3A = arith.constant 8192 : i32
    %scan3A_18 = arith.constant 0 : i32
    %scan3A_19 = arith.constant 1024 : i32
    %scan3A_20 = arith.addi %scan3A_18, %scan3A_19 : i32
    %scan3A_21 = arith.constant 1 : i32
    %scan3A_22:3 = scf.for %scan3A_32 = %scan3A_18 to %scan3A_20 step %scan3A_21 iter_args(%scan3A_33 = %broadcast_in_dim3A_13, %scan3A_34 = %broadcast_in_dim3A_17, %scan3A_35 = %broadcast_in_dim3A_15) -> (vector<2x64x128xf32>, vector<2x1x1xi32>, vector<2x8x128xi32>)  : i32 {
      %eq3A = vector.broadcast %scan3A_34 : vector<2x1x1xi32> to vector<2x64x128xi32>
      %eq3A_36 = arith.cmpi eq, %add3A, %eq3A : vector<2x64x128xi32>
      %broadcast_in_dim3A_37 = vector.shape_cast %eq3A_36 : vector<2x64x128xi1> to vector<2x1x64x128xi1>
      %jit3A = arith.constant 0.000000e+00 : f32
      %broadcast_in_dim3A_38 = vector.shape_cast %broadcast_in_dim3A_37 : vector<2x1x64x128xi1> to vector<2x1x64x128xi1>
      %broadcast_in_dim3A_39 = vector.broadcast %broadcast_in_dim3A_38 : vector<2x1x64x128xi1> to vector<2x3x64x128xi1>
      %broadcast_in_dim3A_40 = vector.broadcast %jit3A : f32 to vector<2x3x64x128xf32>
      %select_n3A = arith.select %broadcast_in_dim3A_39, %get3A_3, %broadcast_in_dim3A_40 : vector<2x3x64x128xi1>, vector<2x3x64x128xf32>
      %reduce_sum3A = arith.constant dense<0.000000e+00> : vector<2x3xf32>
      %reduce_sum3A_41 = vector.multi_reduction <add>, %select_n3A, %reduce_sum3A [2, 3] : vector<2x3x64x128xf32> to vector<2x3xf32>
      %broadcast_in_dim3A_42 = vector.shape_cast %reduce_sum3A_41 : vector<2x3xf32> to vector<2x3x1x1xf32>
      %sub3A = vector.broadcast %broadcast_in_dim3A_42 : vector<2x3x1x1xf32> to vector<2x3x64x128xf32>
      %sub3A_43 = arith.subf %get3A_3, %sub3A : vector<2x3x64x128xf32>
      %mul3A_44 = arith.mulf %sub3A_43, %sub3A_43 : vector<2x3x64x128xf32>
      %reduce_sum3A_45 = arith.constant dense<0.000000e+00> : vector<2x64x128xf32>
      %reduce_sum3A_46 = vector.multi_reduction <add>, %mul3A_44, %reduce_sum3A_45 [1] : vector<2x3x64x128xf32> to vector<2x64x128xf32>
      %min3A = arith.minimumf %scan3A_33, %reduce_sum3A_46 : vector<2x64x128xf32>
      %reduce_max3A = arith.constant dense<0xFF800000> : vector<2xf32>
      %reduce_max3A_47 = vector.multi_reduction <maximumf>, %min3A, %reduce_max3A [1, 2] : vector<2x64x128xf32> to vector<2xf32>
      %broadcast_in_dim3A_48 = vector.shape_cast %reduce_max3A_47 : vector<2xf32> to vector<2x1x1xf32>
      %eq3A_49 = vector.broadcast %broadcast_in_dim3A_48 : vector<2x1x1xf32> to vector<2x64x128xf32>
      %eq3A_50 = arith.cmpf oeq, %min3A, %eq3A_49 : vector<2x64x128xf32>
      %broadcast_in_dim3A_51 = vector.broadcast %scan3A : i32 to vector<2x64x128xi32>
      %select_n3A_52 = arith.select %eq3A_50, %add3A, %broadcast_in_dim3A_51 : vector<2x64x128xi1>, vector<2x64x128xi32>
      %reduce_min3A = arith.constant dense<2147483647> : vector<2xi32>
      %reduce_min3A_53 = vector.multi_reduction <minsi>, %select_n3A_52, %reduce_min3A [1, 2] : vector<2x64x128xi32> to vector<2xi32>
      %broadcast_in_dim3A_54 = vector.shape_cast %reduce_min3A_53 : vector<2xi32> to vector<2x1x1xi32>
      %eq3A_55 = vector.broadcast %scan3A_32 : i32 to vector<2x8x128xi32>
      %eq3A_56 = arith.cmpi eq, %add3A_12, %eq3A_55 : vector<2x8x128xi32>
      %broadcast_in_dim3A_57 = vector.shape_cast %scan3A_34 : vector<2x1x1xi32> to vector<2x1x1xi32>
      %broadcast_in_dim3A_58 = vector.broadcast %broadcast_in_dim3A_57 : vector<2x1x1xi32> to vector<2x8x128xi32>
      %select_n3A_59 = arith.select %eq3A_56, %broadcast_in_dim3A_58, %scan3A_35 : vector<2x8x128xi1>, vector<2x8x128xi32>
      scf.yield %min3A, %broadcast_in_dim3A_54, %select_n3A_59 : vector<2x64x128xf32>, vector<2x1x1xi32>, vector<2x8x128xi32>
    }
    %scan3A_23 = arith.constant 1024 : i32
    %iota3A_24 = tpu.iota {dimensions = array<i32: 0>} : vector<2x8x128xi32>
    %mul3A_25 = arith.constant 8192 : i32
    %mul3A_26 = vector.broadcast %mul3A_25 : i32 to vector<2x8x128xi32>
    %mul3A_27 = arith.muli %iota3A_24, %mul3A_26 : vector<2x8x128xi32>
    %add3A_28 = arith.addi %scan3A_22#2, %mul3A_27 : vector<2x8x128xi32>
    %swap3A = arith.constant 0 : index
    %swap3A_29 = arith.constant 0 : index
    %swap3A_30 = arith.constant 0 : index
    %swap3A_31 = vector.load %arg1[%swap3A, %swap3A_29, %swap3A_30] : memref<2x8x128xi32, #tpu.memory_space<vmem>>, vector<2x8x128xi32>
    tpu.vector_store %arg1[%swap3A, %swap3A_29, %swap3A_30], %add3A_28 {strides = array<i32>} : memref<2x8x128xi32, #tpu.memory_space<vmem>>, vector<2x8x128xi32>,
    return
  }
}

module attributes {stable_mosaic.version = 14 : i64} {
  func.func @_bq_body(%arg0: i32, %arg1: i32, %arg2: memref<1x128x3xf32, #tpu.memory_space<vmem>>, %arg3: memref<1x3x8192xf32, #tpu.memory_space<vmem>>, %arg4: memref<1x128x32xi32, #tpu.memory_space<vmem>>) attributes {dimension_semantics = [#tpu.dimension_semantics<parallel>, #tpu.dimension_semantics<parallel>], iteration_bounds = array<i64: 2, 8>, scalar_prefetch = 0 : i64, scratch_operands = 0 : i64, tpu.core_type = #tpu.core_type<tc>, window_params = [{transform_indices = @transform_0, window_bounds = array<i64: 1, 128, 3>}, {transform_indices = @transform_1, window_bounds = array<i64: 1, 3, 8192>}, {transform_indices = @transform_2, window_bounds = array<i64: 1, 128, 32>}]} {
    %get3A = arith.constant 0 : index
    %get3A_0 = arith.constant 0 : index
    %get3A_1 = arith.constant 0 : index
    %get3A_2 = vector.load %arg2[%get3A, %get3A_0, %get3A_1] : memref<1x128x3xf32, #tpu.memory_space<vmem>>, vector<1x128x3xf32>
    %get3A_3 = vector.shape_cast %get3A_2 : vector<1x128x3xf32> to vector<128x3xf32>
    %get3A_4 = arith.constant 0 : index
    %get3A_5 = arith.constant 0 : index
    %get3A_6 = arith.constant 0 : index
    %get3A_7 = vector.load %arg3[%get3A_4, %get3A_5, %get3A_6] : memref<1x3x8192xf32, #tpu.memory_space<vmem>>, vector<1x3x8192xf32>
    %get3A_8 = vector.shape_cast %get3A_7 : vector<1x3x8192xf32> to vector<3x8192xf32>
    %mul3A = arith.mulf %get3A_8, %get3A_8 : vector<3x8192xf32>
    %reduce_sum3A = arith.constant dense<0.000000e+00> : vector<8192xf32>
    %reduce_sum3A_9 = vector.multi_reduction <add>, %mul3A, %reduce_sum3A [0] : vector<3x8192xf32> to vector<8192xf32>
    %broadcast_in_dim3A = vector.shape_cast %reduce_sum3A_9 : vector<8192xf32> to vector<1x8192xf32>
    %mul3A_10 = arith.mulf %get3A_3, %get3A_3 : vector<128x3xf32>
    %reduce_sum3A_11 = arith.constant dense<0.000000e+00> : vector<128xf32>
    %reduce_sum3A_12 = vector.multi_reduction <add>, %mul3A_10, %reduce_sum3A_11 [1] : vector<128x3xf32> to vector<128xf32>
    %broadcast_in_dim3A_13 = vector.shape_cast %reduce_sum3A_12 : vector<128xf32> to vector<128x1xf32>
    %dot_general3A = arith.constant dense<0.000000e+00> : vector<128x8192xf32>
    %dot_general3A_14 = tpu.matmul %get3A_3, %get3A_8, %dot_general3A {dimension_numbers = #tpu.dot_dimension_numbers<[1], [0], [0], [1], [0, 0, 1, 1], [], []>, transpose_lhs_hint = false} : vector<128x3xf32>, vector<3x8192xf32>, vector<128x8192xf32> -> vector<128x8192xf32>
    %add3A = vector.broadcast %broadcast_in_dim3A_13 : vector<128x1xf32> to vector<128x8192xf32>
    %add3A_15 = vector.broadcast %broadcast_in_dim3A : vector<1x8192xf32> to vector<128x8192xf32>
    %add3A_16 = arith.addf %add3A, %add3A_15 : vector<128x8192xf32>
    %mul3A_17 = arith.constant 2.000000e+00 : f32
    %mul3A_18 = vector.broadcast %mul3A_17 : f32 to vector<128x8192xf32>
    %mul3A_19 = arith.mulf %mul3A_18, %dot_general3A_14 : vector<128x8192xf32>
    %sub3A = arith.subf %add3A_16, %mul3A_19 : vector<128x8192xf32>
    %iota3A = tpu.iota {dimensions = array<i32: 1>} : vector<128x8192xi32>
    %lt3A = arith.constant 4.000000e-02 : f32
    %lt3A_20 = vector.broadcast %lt3A : f32 to vector<128x8192xf32>
    %lt3A_21 = arith.cmpf olt, %sub3A, %lt3A_20 : vector<128x8192xf32>
    %jit3A = arith.constant 8192 : i32
    %broadcast_in_dim3A_22 = vector.broadcast %jit3A : i32 to vector<128x8192xi32>
    %select_n3A = arith.select %lt3A_21, %iota3A, %broadcast_in_dim3A_22 : vector<128x8192xi1>, vector<128x8192xi32>
    %iota3A_23 = tpu.iota {dimensions = array<i32: 1>} : vector<128x32xi32>
    %broadcast_in_dim3A_24 = arith.constant -1 : i32
    %broadcast_in_dim3A_25 = vector.broadcast %broadcast_in_dim3A_24 : i32 to vector<128x1xi32>
    %broadcast_in_dim3A_26 = arith.constant 0 : i32
    %broadcast_in_dim3A_27 = vector.broadcast %broadcast_in_dim3A_26 : i32 to vector<128x32xi32>
    %scan3A = arith.constant 8192 : i32
    %scan3A_28 = arith.constant 0 : i32
    %scan3A_29 = arith.constant 32 : i32
    %scan3A_30 = arith.addi %scan3A_28, %scan3A_29 : i32
    %scan3A_31 = arith.constant 1 : i32
    %scan3A_32:2 = scf.for %scan3A_54 = %scan3A_28 to %scan3A_30 step %scan3A_31 iter_args(%scan3A_55 = %broadcast_in_dim3A_25, %scan3A_56 = %broadcast_in_dim3A_27) -> (vector<128x1xi32>, vector<128x32xi32>)  : i32 {
      %gt3A = vector.broadcast %scan3A_55 : vector<128x1xi32> to vector<128x8192xi32>
      %gt3A_57 = arith.cmpi sgt, %iota3A, %gt3A : vector<128x8192xi32>
      %broadcast_in_dim3A_58 = vector.broadcast %scan3A : i32 to vector<128x8192xi32>
      %select_n3A_59 = arith.select %gt3A_57, %select_n3A, %broadcast_in_dim3A_58 : vector<128x8192xi1>, vector<128x8192xi32>
      %reduce_min3A = arith.constant dense<2147483647> : vector<128xi32>
      %reduce_min3A_60 = vector.multi_reduction <minsi>, %select_n3A_59, %reduce_min3A [1] : vector<128x8192xi32> to vector<128xi32>
      %broadcast_in_dim3A_61 = vector.shape_cast %reduce_min3A_60 : vector<128xi32> to vector<128x1xi32>
      %eq3A_62 = vector.broadcast %scan3A_54 : i32 to vector<128x32xi32>
      %eq3A_63 = arith.cmpi eq, %iota3A_23, %eq3A_62 : vector<128x32xi32>
      %broadcast_in_dim3A_64 = vector.shape_cast %broadcast_in_dim3A_61 : vector<128x1xi32> to vector<128x1xi32>
      %broadcast_in_dim3A_65 = vector.broadcast %broadcast_in_dim3A_64 : vector<128x1xi32> to vector<128x32xi32>
      %select_n3A_66 = arith.select %eq3A_63, %broadcast_in_dim3A_65, %scan3A_56 : vector<128x32xi1>, vector<128x32xi32>
      scf.yield %broadcast_in_dim3A_61, %select_n3A_66 : vector<128x1xi32>, vector<128x32xi32>
    }
    %scan3A_33 = arith.constant 32 : i32
    %slice3A = vector.extract_strided_slice %scan3A_32#1 {offsets = [0, 0], sizes = [128, 1], strides = [1, 1]} : vector<128x32xi32> to vector<128x1xi32>
    %eq3A = arith.constant 8192 : i32
    %eq3A_34 = vector.broadcast %eq3A : i32 to vector<128x32xi32>
    %eq3A_35 = arith.cmpi eq, %scan3A_32#1, %eq3A_34 : vector<128x32xi32>
    %broadcast_in_dim3A_36 = vector.shape_cast %slice3A : vector<128x1xi32> to vector<128x1xi32>
    %broadcast_in_dim3A_37 = vector.broadcast %broadcast_in_dim3A_36 : vector<128x1xi32> to vector<128x32xi32>
    %select_n3A_38 = arith.select %eq3A_35, %broadcast_in_dim3A_37, %scan3A_32#1 : vector<128x32xi1>, vector<128x32xi32>
    %eq3A_39 = arith.constant 8192 : i32
    %eq3A_40 = vector.broadcast %eq3A_39 : i32 to vector<128x32xi32>
    %eq3A_41 = arith.cmpi eq, %select_n3A_38, %eq3A_40 : vector<128x32xi32>
    %jit3A_42 = arith.constant 0 : i32
    %broadcast_in_dim3A_43 = vector.broadcast %jit3A_42 : i32 to vector<128x32xi32>
    %select_n3A_44 = arith.select %eq3A_41, %broadcast_in_dim3A_43, %select_n3A_38 : vector<128x32xi1>, vector<128x32xi32>
    %mul3A_45 = arith.constant 8192 : i32
    %mul3A_46 = arith.muli %arg0, %mul3A_45 : i32
    %add3A_47 = vector.broadcast %mul3A_46 : i32 to vector<128x32xi32>
    %add3A_48 = arith.addi %select_n3A_44, %add3A_47 : vector<128x32xi32>
    %swap3A = arith.constant 0 : index
    %swap3A_49 = arith.constant 0 : index
    %swap3A_50 = arith.constant 0 : index
    %swap3A_51 = vector.load %arg4[%swap3A, %swap3A_49, %swap3A_50] : memref<1x128x32xi32, #tpu.memory_space<vmem>>, vector<1x128x32xi32>
    %swap3A_52 = vector.shape_cast %swap3A_51 : vector<1x128x32xi32> to vector<128x32xi32>
    %swap3A_53 = vector.shape_cast %add3A_48 : vector<128x32xi32> to vector<1x128x32xi32>
    tpu.vector_store %arg4[%swap3A, %swap3A_49, %swap3A_50], %swap3A_53 {strides = array<i32>} : memref<1x128x32xi32, #tpu.memory_space<vmem>>, vector<1x128x32xi32>,
    return
  }
  func.func @transform_0(%arg0: i32, %arg1: i32) -> (i32, i32, i32) {
    %c0_i32 = arith.constant 0 : i32
    %c0_i32_0 = arith.constant 0 : i32
    return %arg0, %arg1, %c0_i32 : i32, i32, i32
  }
  func.func @transform_1(%arg0: i32, %arg1: i32) -> (i32, i32, i32) {
    %c0_i32 = arith.constant 0 : i32
    %c0_i32_0 = arith.constant 0 : i32
    %c0_i32_1 = arith.constant 0 : i32
    return %arg0, %c0_i32, %c0_i32_0 : i32, i32, i32
  }
  func.func @transform_2(%arg0: i32, %arg1: i32) -> (i32, i32, i32) {
    %c0_i32 = arith.constant 0 : i32
    %c0_i32_0 = arith.constant 0 : i32
    return %arg0, %arg1, %c0_i32 : i32, i32, i32
  }
}

module attributes {stable_mosaic.version = 14 : i64} {
  func.func @_conv1_body(%arg0: i32, %arg1: memref<2048x48xf32, #tpu.memory_space<vmem>>, %arg2: memref<2048x48xf32, #tpu.memory_space<vmem>>, %arg3: memref<48x32xf32, #tpu.memory_space<vmem>>, %arg4: memref<48x32xf32, #tpu.memory_space<vmem>>, %arg5: memref<1x32xf32, #tpu.memory_space<vmem>>, %arg6: memref<2048x32xf32, #tpu.memory_space<vmem>>, %arg7: memref<8x32xf32, #tpu.memory_space<vmem>>) attributes {dimension_semantics = [#tpu.dimension_semantics<arbitrary>], iteration_bounds = array<i64: 32>, scalar_prefetch = 0 : i64, scratch_operands = 0 : i64, tpu.core_type = #tpu.core_type<tc>, window_params = [{transform_indices = @transform_0, window_bounds = array<i64: 2048, 48>}, {pipeline_mode = #tpu.pipeline_mode<synchronous>, transform_indices = @transform_1, window_bounds = array<i64: 2048, 48>}, {pipeline_mode = #tpu.pipeline_mode<synchronous>, transform_indices = @transform_2, window_bounds = array<i64: 48, 32>}, {pipeline_mode = #tpu.pipeline_mode<synchronous>, transform_indices = @transform_3, window_bounds = array<i64: 48, 32>}, {pipeline_mode = #tpu.pipeline_mode<synchronous>, transform_indices = @transform_4, window_bounds = array<i64: 1, 32>}, {transform_indices = @transform_5, window_bounds = array<i64: 2048, 32>}, {pipeline_mode = #tpu.pipeline_mode<synchronous>, transform_indices = @transform_6, window_bounds = array<i64: 8, 32>}]} {
    %get3A = arith.constant 0 : index
    %get3A_0 = arith.constant 0 : index
    %get3A_1 = vector.load %arg1[%get3A, %get3A_0] : memref<2048x48xf32, #tpu.memory_space<vmem>>, vector<2048x48xf32>
    %get3A_2 = arith.constant 0 : index
    %get3A_3 = arith.constant 0 : index
    %get3A_4 = vector.load %arg3[%get3A_2, %get3A_3] : memref<48x32xf32, #tpu.memory_space<vmem>>, vector<48x32xf32>
    %dot_general3A = arith.constant dense<0.000000e+00> : vector<2048x32xf32>
    %dot_general3A_5 = tpu.matmul %get3A_1, %get3A_4, %dot_general3A {dimension_numbers = #tpu.dot_dimension_numbers<[1], [0], [0], [1], [0, 0, 1, 1], [], []>, transpose_lhs_hint = false} : vector<2048x48xf32>, vector<48x32xf32>, vector<2048x32xf32> -> vector<2048x32xf32>
    %get3A_6 = arith.constant 0 : index
    %get3A_7 = arith.constant 0 : index
    %get3A_8 = vector.load %arg2[%get3A_6, %get3A_7] : memref<2048x48xf32, #tpu.memory_space<vmem>>, vector<2048x48xf32>
    %get3A_9 = arith.constant 0 : index
    %get3A_10 = arith.constant 0 : index
    %get3A_11 = vector.load %arg4[%get3A_9, %get3A_10] : memref<48x32xf32, #tpu.memory_space<vmem>>, vector<48x32xf32>
    %dot_general3A_12 = arith.constant dense<0.000000e+00> : vector<2048x32xf32>
    %dot_general3A_13 = tpu.matmul %get3A_8, %get3A_11, %dot_general3A_12 {dimension_numbers = #tpu.dot_dimension_numbers<[1], [0], [0], [1], [0, 0, 1, 1], [], []>, transpose_lhs_hint = false} : vector<2048x48xf32>, vector<48x32xf32>, vector<2048x32xf32> -> vector<2048x32xf32>
    %get3A_14 = arith.constant 0 : index
    %get3A_15 = arith.constant 0 : index
    %get3A_16 = vector.load %arg5[%get3A_14, %get3A_15] : memref<1x32xf32, #tpu.memory_space<vmem>>, vector<1x32xf32>
    %add3A = vector.broadcast %get3A_16 : vector<1x32xf32> to vector<2048x32xf32>
    %add3A_17 = arith.addf %dot_general3A_5, %add3A : vector<2048x32xf32>
    %sub3A = arith.subf %add3A_17, %dot_general3A_13 : vector<2048x32xf32>
    %swap3A = arith.constant 0 : index
    %swap3A_18 = arith.constant 0 : index
    %swap3A_19 = vector.load %arg6[%swap3A, %swap3A_18] : memref<2048x32xf32, #tpu.memory_space<vmem>>, vector<2048x32xf32>
    tpu.vector_store %arg6[%swap3A, %swap3A_18], %sub3A {strides = array<i32>} : memref<2048x32xf32, #tpu.memory_space<vmem>>, vector<2048x32xf32>,
    %reduce_sum3A = arith.constant dense<0.000000e+00> : vector<32xf32>
    %reduce_sum3A_20 = vector.multi_reduction <add>, %sub3A, %reduce_sum3A [0] : vector<2048x32xf32> to vector<32xf32>
    %broadcast_in_dim3A = vector.shape_cast %reduce_sum3A_20 : vector<32xf32> to vector<1x32xf32>
    %mul3A = arith.mulf %sub3A, %sub3A : vector<2048x32xf32>
    %reduce_sum3A_21 = arith.constant dense<0.000000e+00> : vector<32xf32>
    %reduce_sum3A_22 = vector.multi_reduction <add>, %mul3A, %reduce_sum3A_21 [0] : vector<2048x32xf32> to vector<32xf32>
    %broadcast_in_dim3A_23 = vector.shape_cast %reduce_sum3A_22 : vector<32xf32> to vector<1x32xf32>
    %broadcast_in_dim3A_24 = arith.constant 0.000000e+00 : f32
    %broadcast_in_dim3A_25 = vector.broadcast %broadcast_in_dim3A_24 : f32 to vector<6x32xf32>
    %concatenate3A = tpu.concatenate %broadcast_in_dim3A, %broadcast_in_dim3A_23, %broadcast_in_dim3A_25 in 0 : vector<1x32xf32>, vector<1x32xf32>, vector<6x32xf32> -> vector<8x32xf32>
    %eq3A = arith.constant 0 : i32
    %eq3A_26 = arith.cmpi eq, %arg0, %eq3A : i32
    %convert_element_type3A = arith.extui %eq3A_26 : i1 to i32
    %cond3A = arith.constant 0 : i32
    %cond3A_27 = arith.cmpi ne, %convert_element_type3A, %cond3A : i32
    scf.if %cond3A_27 {
      %swap3A_32 = arith.constant 0 : index
      %swap3A_33 = arith.constant 0 : index
      %swap3A_34 = vector.load %arg7[%swap3A_32, %swap3A_33] : memref<8x32xf32, #tpu.memory_space<vmem>>, vector<8x32xf32>
      tpu.vector_store %arg7[%swap3A_32, %swap3A_33], %concatenate3A {strides = array<i32>} : memref<8x32xf32, #tpu.memory_space<vmem>>, vector<8x32xf32>,
    } else {
    }
    %ne3A = arith.constant 0 : i32
    %ne3A_28 = arith.cmpi ne, %arg0, %ne3A : i32
    %convert_element_type3A_29 = arith.extui %ne3A_28 : i1 to i32
    %cond3A_30 = arith.constant 0 : i32
    %cond3A_31 = arith.cmpi ne, %convert_element_type3A_29, %cond3A_30 : i32
    scf.if %cond3A_31 {
      %get3A_32 = arith.constant 0 : index
      %get3A_33 = arith.constant 0 : index
      %get3A_34 = vector.load %arg7[%get3A_32, %get3A_33] : memref<8x32xf32, #tpu.memory_space<vmem>>, vector<8x32xf32>
      %add3A_35 = arith.addf %get3A_34, %concatenate3A : vector<8x32xf32>
      %swap3A_36 = arith.constant 0 : index
      %swap3A_37 = arith.constant 0 : index
      %swap3A_38 = vector.load %arg7[%swap3A_36, %swap3A_37] : memref<8x32xf32, #tpu.memory_space<vmem>>, vector<8x32xf32>
      tpu.vector_store %arg7[%swap3A_36, %swap3A_37], %add3A_35 {strides = array<i32>} : memref<8x32xf32, #tpu.memory_space<vmem>>, vector<8x32xf32>,
    } else {
    }
    return
  }
  func.func @transform_0(%arg0: i32) -> (i32, i32) {
    %c0_i32 = arith.constant 0 : i32
    %c0_i32_0 = arith.constant 0 : i32
    return %arg0, %c0_i32 : i32, i32
  }
  func.func @transform_1(%arg0: i32) -> (i32, i32) {
    %c0_i32 = arith.constant 0 : i32
    %c0_i32_0 = arith.constant 0 : i32
    %c0_i32_1 = arith.constant 0 : i32
    return %c0_i32, %c0_i32_0 : i32, i32
  }
  func.func @transform_2(%arg0: i32) -> (i32, i32) {
    %c0_i32 = arith.constant 0 : i32
    %c0_i32_0 = arith.constant 0 : i32
    %c0_i32_1 = arith.constant 0 : i32
    return %c0_i32, %c0_i32_0 : i32, i32
  }
  func.func @transform_3(%arg0: i32) -> (i32, i32) {
    %c0_i32 = arith.constant 0 : i32
    %c0_i32_0 = arith.constant 0 : i32
    %c0_i32_1 = arith.constant 0 : i32
    return %c0_i32, %c0_i32_0 : i32, i32
  }
  func.func @transform_4(%arg0: i32) -> (i32, i32) {
    %c0_i32 = arith.constant 0 : i32
    %c0_i32_0 = arith.constant 0 : i32
    %c0_i32_1 = arith.constant 0 : i32
    return %c0_i32, %c0_i32_0 : i32, i32
  }
  func.func @transform_5(%arg0: i32) -> (i32, i32) {
    %c0_i32 = arith.constant 0 : i32
    %c0_i32_0 = arith.constant 0 : i32
    return %arg0, %c0_i32 : i32, i32
  }
  func.func @transform_6(%arg0: i32) -> (i32, i32) {
    %c0_i32 = arith.constant 0 : i32
    %c0_i32_0 = arith.constant 0 : i32
    %c0_i32_1 = arith.constant 0 : i32
    return %c0_i32, %c0_i32_0 : i32, i32
  }
}

module attributes {stable_mosaic.version = 14 : i64} {
  func.func @_conv2_body(%arg0: i32, %arg1: memref<2048x32xf32, #tpu.memory_space<vmem>>, %arg2: memref<8x32xf32, #tpu.memory_space<vmem>>, %arg3: memref<1x32xf32, #tpu.memory_space<vmem>>, %arg4: memref<1x32xf32, #tpu.memory_space<vmem>>, %arg5: memref<32x64xf32, #tpu.memory_space<vmem>>, %arg6: memref<1x64xf32, #tpu.memory_space<vmem>>, %arg7: memref<2048x64xf32, #tpu.memory_space<vmem>>, %arg8: memref<8x64xf32, #tpu.memory_space<vmem>>) attributes {dimension_semantics = [#tpu.dimension_semantics<arbitrary>], iteration_bounds = array<i64: 32>, scalar_prefetch = 0 : i64, scratch_operands = 0 : i64, tpu.core_type = #tpu.core_type<tc>, window_params = [{transform_indices = @transform_0, window_bounds = array<i64: 2048, 32>}, {pipeline_mode = #tpu.pipeline_mode<synchronous>, transform_indices = @transform_1, window_bounds = array<i64: 8, 32>}, {pipeline_mode = #tpu.pipeline_mode<synchronous>, transform_indices = @transform_2, window_bounds = array<i64: 1, 32>}, {pipeline_mode = #tpu.pipeline_mode<synchronous>, transform_indices = @transform_3, window_bounds = array<i64: 1, 32>}, {pipeline_mode = #tpu.pipeline_mode<synchronous>, transform_indices = @transform_4, window_bounds = array<i64: 32, 64>}, {pipeline_mode = #tpu.pipeline_mode<synchronous>, transform_indices = @transform_5, window_bounds = array<i64: 1, 64>}, {transform_indices = @transform_6, window_bounds = array<i64: 2048, 64>}, {pipeline_mode = #tpu.pipeline_mode<synchronous>, transform_indices = @transform_7, window_bounds = array<i64: 8, 64>}]} {
    %get3A = arith.constant 0 : index
    %get3A_0 = arith.constant 0 : index
    %get3A_1 = vector.load %arg2[%get3A, %get3A_0] : memref<8x32xf32, #tpu.memory_space<vmem>>, vector<8x32xf32>
    %slice3A = vector.extract_strided_slice %get3A_1 {offsets = [0, 0], sizes = [1, 32], strides = [1, 1]} : vector<8x32xf32> to vector<1x32xf32>
    %mul3A = arith.constant 1.52587891E-5 : f32
    %mul3A_2 = vector.broadcast %mul3A : f32 to vector<1x32xf32>
    %mul3A_3 = arith.mulf %slice3A, %mul3A_2 : vector<1x32xf32>
    %slice3A_4 = vector.extract_strided_slice %get3A_1 {offsets = [1, 0], sizes = [1, 32], strides = [1, 1]} : vector<8x32xf32> to vector<1x32xf32>
    %mul3A_5 = arith.constant 1.52587891E-5 : f32
    %mul3A_6 = vector.broadcast %mul3A_5 : f32 to vector<1x32xf32>
    %mul3A_7 = arith.mulf %slice3A_4, %mul3A_6 : vector<1x32xf32>
    %mul3A_8 = arith.mulf %mul3A_3, %mul3A_3 : vector<1x32xf32>
    %sub3A = arith.subf %mul3A_7, %mul3A_8 : vector<1x32xf32>
    %get3A_9 = arith.constant 0 : index
    %get3A_10 = arith.constant 0 : index
    %get3A_11 = vector.load %arg1[%get3A_9, %get3A_10] : memref<2048x32xf32, #tpu.memory_space<vmem>>, vector<2048x32xf32>
    %sub3A_12 = vector.broadcast %mul3A_3 : vector<1x32xf32> to vector<2048x32xf32>
    %sub3A_13 = arith.subf %get3A_11, %sub3A_12 : vector<2048x32xf32>
    %add3A = arith.constant 9.99999974E-6 : f32
    %add3A_14 = vector.broadcast %add3A : f32 to vector<1x32xf32>
    %add3A_15 = arith.addf %sub3A, %add3A_14 : vector<1x32xf32>
    %sqrt3A = math.sqrt %add3A_15 : vector<1x32xf32>
    %div3A = vector.broadcast %sqrt3A : vector<1x32xf32> to vector<2048x32xf32>
    %div3A_16 = arith.divf %sub3A_13, %div3A : vector<2048x32xf32>
    %get3A_17 = arith.constant 0 : index
    %get3A_18 = arith.constant 0 : index
    %get3A_19 = vector.load %arg3[%get3A_17, %get3A_18] : memref<1x32xf32, #tpu.memory_space<vmem>>, vector<1x32xf32>
    %mul3A_20 = vector.broadcast %get3A_19 : vector<1x32xf32> to vector<2048x32xf32>
    %mul3A_21 = arith.mulf %div3A_16, %mul3A_20 : vector<2048x32xf32>
    %get3A_22 = arith.constant 0 : index
    %get3A_23 = arith.constant 0 : index
    %get3A_24 = vector.load %arg4[%get3A_22, %get3A_23] : memref<1x32xf32, #tpu.memory_space<vmem>>, vector<1x32xf32>
    %add3A_25 = vector.broadcast %get3A_24 : vector<1x32xf32> to vector<2048x32xf32>
    %add3A_26 = arith.addf %mul3A_21, %add3A_25 : vector<2048x32xf32>
    %max3A = arith.constant 0.000000e+00 : f32
    %max3A_27 = vector.broadcast %max3A : f32 to vector<2048x32xf32>
    %max3A_28 = arith.maximumf %add3A_26, %max3A_27 : vector<2048x32xf32>
    %get3A_29 = arith.constant 0 : index
    %get3A_30 = arith.constant 0 : index
    %get3A_31 = vector.load %arg5[%get3A_29, %get3A_30] : memref<32x64xf32, #tpu.memory_space<vmem>>, vector<32x64xf32>
    %dot_general3A = arith.constant dense<0.000000e+00> : vector<2048x64xf32>
    %dot_general3A_32 = tpu.matmul %max3A_28, %get3A_31, %dot_general3A {dimension_numbers = #tpu.dot_dimension_numbers<[1], [0], [0], [1], [0, 0, 1, 1], [], []>, transpose_lhs_hint = false} : vector<2048x32xf32>, vector<32x64xf32>, vector<2048x64xf32> -> vector<2048x64xf32>
    %get3A_33 = arith.constant 0 : index
    %get3A_34 = arith.constant 0 : index
    %get3A_35 = vector.load %arg6[%get3A_33, %get3A_34] : memref<1x64xf32, #tpu.memory_space<vmem>>, vector<1x64xf32>
    %add3A_36 = vector.broadcast %get3A_35 : vector<1x64xf32> to vector<2048x64xf32>
    %add3A_37 = arith.addf %dot_general3A_32, %add3A_36 : vector<2048x64xf32>
    %swap3A = arith.constant 0 : index
    %swap3A_38 = arith.constant 0 : index
    %swap3A_39 = vector.load %arg7[%swap3A, %swap3A_38] : memref<2048x64xf32, #tpu.memory_space<vmem>>, vector<2048x64xf32>
    tpu.vector_store %arg7[%swap3A, %swap3A_38], %add3A_37 {strides = array<i32>} : memref<2048x64xf32, #tpu.memory_space<vmem>>, vector<2048x64xf32>,
    %reduce_sum3A = arith.constant dense<0.000000e+00> : vector<64xf32>
    %reduce_sum3A_40 = vector.multi_reduction <add>, %add3A_37, %reduce_sum3A [0] : vector<2048x64xf32> to vector<64xf32>
    %broadcast_in_dim3A = vector.shape_cast %reduce_sum3A_40 : vector<64xf32> to vector<1x64xf32>
    %mul3A_41 = arith.mulf %add3A_37, %add3A_37 : vector<2048x64xf32>
    %reduce_sum3A_42 = arith.constant dense<0.000000e+00> : vector<64xf32>
    %reduce_sum3A_43 = vector.multi_reduction <add>, %mul3A_41, %reduce_sum3A_42 [0] : vector<2048x64xf32> to vector<64xf32>
    %broadcast_in_dim3A_44 = vector.shape_cast %reduce_sum3A_43 : vector<64xf32> to vector<1x64xf32>
    %broadcast_in_dim3A_45 = arith.constant 0.000000e+00 : f32
    %broadcast_in_dim3A_46 = vector.broadcast %broadcast_in_dim3A_45 : f32 to vector<6x64xf32>
    %concatenate3A = tpu.concatenate %broadcast_in_dim3A, %broadcast_in_dim3A_44, %broadcast_in_dim3A_46 in 0 : vector<1x64xf32>, vector<1x64xf32>, vector<6x64xf32> -> vector<8x64xf32>
    %eq3A = arith.constant 0 : i32
    %eq3A_47 = arith.cmpi eq, %arg0, %eq3A : i32
    %convert_element_type3A = arith.extui %eq3A_47 : i1 to i32
    %cond3A = arith.constant 0 : i32
    %cond3A_48 = arith.cmpi ne, %convert_element_type3A, %cond3A : i32
    scf.if %cond3A_48 {
      %swap3A_53 = arith.constant 0 : index
      %swap3A_54 = arith.constant 0 : index
      %swap3A_55 = vector.load %arg8[%swap3A_53, %swap3A_54] : memref<8x64xf32, #tpu.memory_space<vmem>>, vector<8x64xf32>
      tpu.vector_store %arg8[%swap3A_53, %swap3A_54], %concatenate3A {strides = array<i32>} : memref<8x64xf32, #tpu.memory_space<vmem>>, vector<8x64xf32>,
    } else {
    }
    %ne3A = arith.constant 0 : i32
    %ne3A_49 = arith.cmpi ne, %arg0, %ne3A : i32
    %convert_element_type3A_50 = arith.extui %ne3A_49 : i1 to i32
    %cond3A_51 = arith.constant 0 : i32
    %cond3A_52 = arith.cmpi ne, %convert_element_type3A_50, %cond3A_51 : i32
    scf.if %cond3A_52 {
      %get3A_53 = arith.constant 0 : index
      %get3A_54 = arith.constant 0 : index
      %get3A_55 = vector.load %arg8[%get3A_53, %get3A_54] : memref<8x64xf32, #tpu.memory_space<vmem>>, vector<8x64xf32>
      %add3A_56 = arith.addf %get3A_55, %concatenate3A : vector<8x64xf32>
      %swap3A_57 = arith.constant 0 : index
      %swap3A_58 = arith.constant 0 : index
      %swap3A_59 = vector.load %arg8[%swap3A_57, %swap3A_58] : memref<8x64xf32, #tpu.memory_space<vmem>>, vector<8x64xf32>
      tpu.vector_store %arg8[%swap3A_57, %swap3A_58], %add3A_56 {strides = array<i32>} : memref<8x64xf32, #tpu.memory_space<vmem>>, vector<8x64xf32>,
    } else {
    }
    return
  }
  func.func @transform_0(%arg0: i32) -> (i32, i32) {
    %c0_i32 = arith.constant 0 : i32
    %c0_i32_0 = arith.constant 0 : i32
    return %arg0, %c0_i32 : i32, i32
  }
  func.func @transform_1(%arg0: i32) -> (i32, i32) {
    %c0_i32 = arith.constant 0 : i32
    %c0_i32_0 = arith.constant 0 : i32
    %c0_i32_1 = arith.constant 0 : i32
    return %c0_i32, %c0_i32_0 : i32, i32
  }
  func.func @transform_2(%arg0: i32) -> (i32, i32) {
    %c0_i32 = arith.constant 0 : i32
    %c0_i32_0 = arith.constant 0 : i32
    %c0_i32_1 = arith.constant 0 : i32
    return %c0_i32, %c0_i32_0 : i32, i32
  }
  func.func @transform_3(%arg0: i32) -> (i32, i32) {
    %c0_i32 = arith.constant 0 : i32
    %c0_i32_0 = arith.constant 0 : i32
    %c0_i32_1 = arith.constant 0 : i32
    return %c0_i32, %c0_i32_0 : i32, i32
  }
  func.func @transform_4(%arg0: i32) -> (i32, i32) {
    %c0_i32 = arith.constant 0 : i32
    %c0_i32_0 = arith.constant 0 : i32
    %c0_i32_1 = arith.constant 0 : i32
    return %c0_i32, %c0_i32_0 : i32, i32
  }
  func.func @transform_5(%arg0: i32) -> (i32, i32) {
    %c0_i32 = arith.constant 0 : i32
    %c0_i32_0 = arith.constant 0 : i32
    %c0_i32_1 = arith.constant 0 : i32
    return %c0_i32, %c0_i32_0 : i32, i32
  }
  func.func @transform_6(%arg0: i32) -> (i32, i32) {
    %c0_i32 = arith.constant 0 : i32
    %c0_i32_0 = arith.constant 0 : i32
    return %arg0, %c0_i32 : i32, i32
  }
  func.func @transform_7(%arg0: i32) -> (i32, i32) {
    %c0_i32 = arith.constant 0 : i32
    %c0_i32_0 = arith.constant 0 : i32
    %c0_i32_1 = arith.constant 0 : i32
    return %c0_i32, %c0_i32_0 : i32, i32
  }
}

module attributes {stable_mosaic.version = 14 : i64} {
  func.func @_pool_body(%arg0: i32, %arg1: memref<2048x64xf32, #tpu.memory_space<vmem>>, %arg2: memref<8x64xf32, #tpu.memory_space<vmem>>, %arg3: memref<1x64xf32, #tpu.memory_space<vmem>>, %arg4: memref<1x64xf32, #tpu.memory_space<vmem>>, %arg5: memref<2048x64xf32, #tpu.memory_space<vmem>>) attributes {dimension_semantics = [#tpu.dimension_semantics<arbitrary>], iteration_bounds = array<i64: 32>, scalar_prefetch = 0 : i64, scratch_operands = 0 : i64, tpu.core_type = #tpu.core_type<tc>, window_params = [{transform_indices = @transform_0, window_bounds = array<i64: 2048, 64>}, {pipeline_mode = #tpu.pipeline_mode<synchronous>, transform_indices = @transform_1, window_bounds = array<i64: 8, 64>}, {pipeline_mode = #tpu.pipeline_mode<synchronous>, transform_indices = @transform_2, window_bounds = array<i64: 1, 64>}, {pipeline_mode = #tpu.pipeline_mode<synchronous>, transform_indices = @transform_3, window_bounds = array<i64: 1, 64>}, {pipeline_mode = #tpu.pipeline_mode<synchronous>, transform_indices = @transform_4, window_bounds = array<i64: 2048, 64>}]} {
    %get3A = arith.constant 0 : index
    %get3A_0 = arith.constant 0 : index
    %get3A_1 = vector.load %arg2[%get3A, %get3A_0] : memref<8x64xf32, #tpu.memory_space<vmem>>, vector<8x64xf32>
    %slice3A = vector.extract_strided_slice %get3A_1 {offsets = [0, 0], sizes = [1, 64], strides = [1, 1]} : vector<8x64xf32> to vector<1x64xf32>
    %mul3A = arith.constant 1.52587891E-5 : f32
    %mul3A_2 = vector.broadcast %mul3A : f32 to vector<1x64xf32>
    %mul3A_3 = arith.mulf %slice3A, %mul3A_2 : vector<1x64xf32>
    %slice3A_4 = vector.extract_strided_slice %get3A_1 {offsets = [1, 0], sizes = [1, 64], strides = [1, 1]} : vector<8x64xf32> to vector<1x64xf32>
    %mul3A_5 = arith.constant 1.52587891E-5 : f32
    %mul3A_6 = vector.broadcast %mul3A_5 : f32 to vector<1x64xf32>
    %mul3A_7 = arith.mulf %slice3A_4, %mul3A_6 : vector<1x64xf32>
    %mul3A_8 = arith.mulf %mul3A_3, %mul3A_3 : vector<1x64xf32>
    %sub3A = arith.subf %mul3A_7, %mul3A_8 : vector<1x64xf32>
    %get3A_9 = arith.constant 0 : index
    %get3A_10 = arith.constant 0 : index
    %get3A_11 = vector.load %arg1[%get3A_9, %get3A_10] : memref<2048x64xf32, #tpu.memory_space<vmem>>, vector<2048x64xf32>
    %sub3A_12 = vector.broadcast %mul3A_3 : vector<1x64xf32> to vector<2048x64xf32>
    %sub3A_13 = arith.subf %get3A_11, %sub3A_12 : vector<2048x64xf32>
    %add3A = arith.constant 9.99999974E-6 : f32
    %add3A_14 = vector.broadcast %add3A : f32 to vector<1x64xf32>
    %add3A_15 = arith.addf %sub3A, %add3A_14 : vector<1x64xf32>
    %sqrt3A = math.sqrt %add3A_15 : vector<1x64xf32>
    %div3A = vector.broadcast %sqrt3A : vector<1x64xf32> to vector<2048x64xf32>
    %div3A_16 = arith.divf %sub3A_13, %div3A : vector<2048x64xf32>
    %get3A_17 = arith.constant 0 : index
    %get3A_18 = arith.constant 0 : index
    %get3A_19 = vector.load %arg3[%get3A_17, %get3A_18] : memref<1x64xf32, #tpu.memory_space<vmem>>, vector<1x64xf32>
    %mul3A_20 = vector.broadcast %get3A_19 : vector<1x64xf32> to vector<2048x64xf32>
    %mul3A_21 = arith.mulf %div3A_16, %mul3A_20 : vector<2048x64xf32>
    %get3A_22 = arith.constant 0 : index
    %get3A_23 = arith.constant 0 : index
    %get3A_24 = vector.load %arg4[%get3A_22, %get3A_23] : memref<1x64xf32, #tpu.memory_space<vmem>>, vector<1x64xf32>
    %add3A_25 = vector.broadcast %get3A_24 : vector<1x64xf32> to vector<2048x64xf32>
    %add3A_26 = arith.addf %mul3A_21, %add3A_25 : vector<2048x64xf32>
    %max3A = arith.constant 0.000000e+00 : f32
    %max3A_27 = vector.broadcast %max3A : f32 to vector<2048x64xf32>
    %max3A_28 = arith.maximumf %add3A_26, %max3A_27 : vector<2048x64xf32>
    %eq3A = arith.constant 0 : i32
    %eq3A_29 = arith.cmpi eq, %arg0, %eq3A : i32
    %convert_element_type3A = arith.extui %eq3A_29 : i1 to i32
    %cond3A = arith.constant 0 : i32
    %cond3A_30 = arith.cmpi ne, %convert_element_type3A, %cond3A : i32
    scf.if %cond3A_30 {
      %swap3A = arith.constant 0 : index
      %swap3A_35 = arith.constant 0 : index
      %swap3A_36 = vector.load %arg5[%swap3A, %swap3A_35] : memref<2048x64xf32, #tpu.memory_space<vmem>>, vector<2048x64xf32>
      tpu.vector_store %arg5[%swap3A, %swap3A_35], %max3A_28 {strides = array<i32>} : memref<2048x64xf32, #tpu.memory_space<vmem>>, vector<2048x64xf32>,
    } else {
    }
    %ne3A = arith.constant 0 : i32
    %ne3A_31 = arith.cmpi ne, %arg0, %ne3A : i32
    %convert_element_type3A_32 = arith.extui %ne3A_31 : i1 to i32
    %cond3A_33 = arith.constant 0 : i32
    %cond3A_34 = arith.cmpi ne, %convert_element_type3A_32, %cond3A_33 : i32
    scf.if %cond3A_34 {
      %get3A_35 = arith.constant 0 : index
      %get3A_36 = arith.constant 0 : index
      %get3A_37 = vector.load %arg5[%get3A_35, %get3A_36] : memref<2048x64xf32, #tpu.memory_space<vmem>>, vector<2048x64xf32>
      %max3A_38 = arith.maximumf %get3A_37, %max3A_28 : vector<2048x64xf32>
      %swap3A = arith.constant 0 : index
      %swap3A_39 = arith.constant 0 : index
      %swap3A_40 = vector.load %arg5[%swap3A, %swap3A_39] : memref<2048x64xf32, #tpu.memory_space<vmem>>, vector<2048x64xf32>
      tpu.vector_store %arg5[%swap3A, %swap3A_39], %max3A_38 {strides = array<i32>} : memref<2048x64xf32, #tpu.memory_space<vmem>>, vector<2048x64xf32>,
    } else {
    }
    return
  }
  func.func @transform_0(%arg0: i32) -> (i32, i32) {
    %c0_i32 = arith.constant 0 : i32
    %c0_i32_0 = arith.constant 0 : i32
    return %arg0, %c0_i32 : i32, i32
  }
  func.func @transform_1(%arg0: i32) -> (i32, i32) {
    %c0_i32 = arith.constant 0 : i32
    %c0_i32_0 = arith.constant 0 : i32
    %c0_i32_1 = arith.constant 0 : i32
    return %c0_i32, %c0_i32_0 : i32, i32
  }
  func.func @transform_2(%arg0: i32) -> (i32, i32) {
    %c0_i32 = arith.constant 0 : i32
    %c0_i32_0 = arith.constant 0 : i32
    %c0_i32_1 = arith.constant 0 : i32
    return %c0_i32, %c0_i32_0 : i32, i32
  }
  func.func @transform_3(%arg0: i32) -> (i32, i32) {
    %c0_i32 = arith.constant 0 : i32
    %c0_i32_0 = arith.constant 0 : i32
    %c0_i32_1 = arith.constant 0 : i32
    return %c0_i32, %c0_i32_0 : i32, i32
  }
  func.func @transform_4(%arg0: i32) -> (i32, i32) {
    %c0_i32 = arith.constant 0 : i32
    %c0_i32_0 = arith.constant 0 : i32
    %c0_i32_1 = arith.constant 0 : i32
    return %c0_i32, %c0_i32_0 : i32, i32
  }
}

</mosaic_0001>

<sc_bundles>
// kernel: kernel.12.cloned.1.call-start
scs
__scs_entry_jumppad:
0x0: {  	(pc) =	sbr.rel $0x88, $3  }
0x1: {  	(tag) =	ssettag $0x0;
	lr =	simm.s32 $0x1  }
0x2: {  	[smem:$0x3F97] =	sst lr;
	_ =	strace $0xD0000000  }
0x3: {  	_ = 	snop  }
0x4: {  	_ = 	snop  }
0x5: {  	_ = 	snop  }
0x6: {  	_ = 	snop  }
0x7: {  	_ = 	snop  }
__scs_overlays_trampoline_lowered:
0x8: {  	[smem:$0x3FA6] =	sst s0  }
0x9: {  	[smem:$0x3FA7] =	sst s1  }
0xa: {  	[smem:$0x3FA8] =	sst s2  }
0xb: {  	[smem:$0x3FA9] =	sst s3  }
0xc: {  	[smem:$0x3FAA] =	sst s4  }
0xd: {  	[smem:$0x3FAB] =	sst s5  }
0xe: {  	[smem:$0x3FAC] =	sst s6  }
0xf: {  	[smem:$0x3FAD] =	sst s7  }
0x10: {  	[smem:$0x3FAE] =	sst s8  }
0x11: {  	[smem:$0x3FAF] =	sst s9;
	s0 =	simm.s32 @!p0 $0x0  }
0x12: {  	s1 =	sld [smem:$0x3F95];
	s0 =	simm.s32 @p0 $0x1  }
0x13: {  	[smem:$0x3FB0] =	sst s0;
	s0 =	simm.s32 @!p1 $0x0  }
0x14: {  	s2 =	sld [smem:$0x3F94];
	s0 =	simm.s32 @p1 $0x1  }
0x15: {  	[smem:$0x3FB1] =	sst s0;
	s0 =	simm.s32 @!p2 $0x0  }
0x16: {  	s3 =	sld [smem:$0x3FDB];
	s0 =	simm.s32 @p2 $0x1  }
0x17: {  	s4 =	simm.s32 $0x1BF5;
	[smem:$0x3FB3] =	sst s0  }
0x18: {  	s0 =	sld [smem:$0x3F96];
	_ =	swait.ge [sflag:s4], $0x0  }
0x19: {  	s7 =	sld [smem:$0x3F97]  }
0x1a: {  	s8 =	sadd.s32 $0xFFFFE003, lr  }
0x1b: {  	s9 =	sadd.s32 $0xFFFFFEF7, lr;
	s5 =	simm.s32 $0xFFFFFFFF;
	p2 =	slt.u32 s8, $0xFFFFF086  }
0x1c: {  	p1 =	slt.u32 s9, $0xF7A;
	s5 =	simm.s32 @!p2 $0x0  }
0x1d: {  	s5 =	simm.s32 @p1 $0x1;
	p0 =	seq.s32 s7, s2  }
0x1e: {  	s7 =	smul.u32 @!p0 $0xF7A, s2;
	p2 =	seq.s32 @!p0 s5, $0x0  }
0x1f: {  	s9 =	smul.u32 $0xF7A, s1;
	s8 =	simm.s32 @!p0 $0x1BF5;
	p2 =	por !p2, p0  }
0x20: {  	[sflag:s8] =	ssyncset.s32 @!p0 $0xFFFFF086;
	s6 =	sadd.s32 @!p0 s3, s7;
	s7 =	simm.s32 @!p0 $0x108  }
0x21: {  	s3 =	sadd.s32 s3, s9;
	s6 =	sadd.s32 @!p0 $0x88, s6;
	s7 =	simm.s32 @p2 $0x1082  }
0x22: {  	[simem:s7], [sflag:s8] =	dma.local @!p0 [hbm:s6], $0xF7A  }
0x23: {  	s9 =	sor.u32 $0xD0000000, s2;
	s6 =	simm.s32 $0x108;
	_ =	swait.ge @!p0 [sflag:s8], $0x0  }
0x24: {  	s3 =	sadd.s32 $0x88, s3;
	s6 =	simm.s32 @!p1 $0x1082;
	[sflag:s4] =	ssyncset.s32 $0xFFFFF086  }
0x25: {  	[simem:s6], [sflag:s4] =	dma.local [hbm:s3], $0xF7A  }
0x26: {  	[smem:$0x3F97] =	sst s1;
	(tag) =	ssettag s2;
	_ =	strace s9  }
0x27: {  	s1 =	sld [smem:$0x3FA7]  }
0x28: {  	s2 =	sld [smem:$0x3FA8]  }
0x29: {  	s4 =	sld [smem:$0x3FAA]  }
0x2a: {  	p0 =	seq.s32 s5, $0x0;
	s5 =	sld [smem:$0x3FAB]  }
0x2b: {  	s6 =	sld [smem:$0x3FAC]  }
0x2c: {  	s7 =	sld [smem:$0x3FAD]  }
0x2d: {  	s3 =	simm.s32 $0x108;
	s8 =	sld [smem:$0x3FAE]  }
0x2e: {  	s3 =	simm.s32 @!p0 $0x1082;
	s9 =	sld [smem:$0x3FAF]  }
0x2f: {  	lr =	sadd.s32 s0, s3;
	s0 =	sld [smem:$0x3FA6]  }
0x30: {  	s3 =	sld [smem:$0x3FA9]  }
0x31: {  	[smem:$0x3FB2] =	sst s10  }
0x32: {  	s10 =	sld [smem:$0x3FB0];
	_ =	sdelay $0x3  }
0x33: {  	p0 =	seq.s32 s10, $0x1;
	s10 =	sld [smem:$0x3FB2];
	_ =	sdelay $0x3  }
0x34: {  	[smem:$0x3FB2] =	sst s10  }
0x35: {  	s10 =	sld [smem:$0x3FB1];
	_ =	sdelay $0x3  }
0x36: {  	p1 =	seq.s32 s10, $0x1;
	s10 =	sld [smem:$0x3FB2];
	_ =	sdelay $0x3  }
0x37: {  	[smem:$0x3FB2] =	sst s10  }
0x38: {  	s10 =	sld [smem:$0x3FB3]  }
0x39: {  	_ = 	snop;
	(pc) =	sbr.ind lr, $3  }
0x3a: {  	_ = 	snop  }
0x3b: {  	_ = 	snop  }
0x3c: {  	p2 =	seq.s32 s10, $0x1;
	s10 =	sld [smem:$0x3FB2]  }
0x3d: {  	_ =	shalt  }
0x3e: {  	_ =	shalt  }
0x3f: {  	_ =	shalt  }
0x40: {  	_ =	shalt  }
0x41: {  	_ =	shalt  }
0x42: {  	_ =	shalt  }
0x43: {  	_ =	shalt  }
0x44: {  	_ =	shalt  }
0x45: {  	_ =	shalt  }
0x46: {  	_ =	shalt  }
0x47: {  	_ =	shalt  }
0x48: {  	_ =	shalt  }
0x49: {  	_ =	shalt  }
0x4a: {  	_ =	shalt  }
0x4b: {  	_ =	shalt  }
0x4c: {  	_ =	shalt  }
0x4d: {  	_ =	shalt  }
0x4e: {  	_ =	shalt  }
0x4f: {  	_ =	shalt  }
0x50: {  	_ =	shalt  }
0x51: {  	_ =	shalt  }
0x52: {  	_ =	shalt  }
0x53: {  	_ =	shalt  }
0x54: {  	_ =	shalt  }
0x55: {  	_ =	shalt  }
0x56: {  	_ =	shalt  }
0x57: {  	_ =	shalt  }
0x58: {  	_ =	shalt  }
0x59: {  	_ =	shalt  }
0x5a: {  	_ =	shalt  }
0x5b: {  	_ =	shalt  }
0x5c: {  	_ =	shalt  }
0x5d: {  	_ =	shalt  }
0x5e: {  	_ =	shalt  }
0x5f: {  	_ =	shalt  }
0x60: {  	_ =	shalt  }
0x61: {  	_ =	shalt  }
0x62: {  	_ =	shalt  }
0x63: {  	_ =	shalt  }
0x64: {  	_ =	shalt  }
0x65: {  	_ =	shalt  }
0x66: {  	_ =	shalt  }
0x67: {  	_ =	shalt  }
0x68: {  	_ =	shalt  }
0x69: {  	_ =	shalt  }
0x6a: {  	_ =	shalt  }
0x6b: {  	_ =	shalt  }
0x6c: {  	_ =	shalt  }
0x6d: {  	_ =	shalt  }
0x6e: {  	_ =	shalt  }
0x6f: {  	_ =	shalt  }
0x70: {  	_ =	shalt  }
0x71: {  	_ =	shalt  }
0x72: {  	_ =	shalt  }
0x73: {  	_ =	shalt  }
0x74: {  	_ =	shalt  }
0x75: {  	_ =	shalt  }
0x76: {  	_ =	shalt  }
0x77: {  	_ =	shalt  }
0x78: {  	_ =	shalt  }
0x79: {  	_ =	shalt  }
0x7a: {  	_ =	shalt  }
0x7b: {  	_ =	shalt  }
0x7c: {  	_ =	shalt  }
0x7d: {  	_ =	shalt  }
0x7e: {  	_ =	shalt  }
0x7f: {  	_ =	shalt  }
0x80: {  	_ =	shalt  }
0x81: {  	_ =	shalt  }
0x82: {  	_ =	shalt  }
0x83: {  	_ =	shalt  }
0x84: {  	_ =	shalt  }
0x85: {  	_ =	shalt  }
0x86: {  	_ =	shalt  }
0x87: {  	_ =	shalt  }
.Lfunc_end0:
.L_simem_size_0:
called_computation.1_lowered:
.L_overlay_start_0:
0x88: {  	s2 =	sld [smem:$0x3FD9]  }
0x89: {  	s3 =	sld [smem:$0x3FFE];
	_ =	sdelay $0x1  }
0x8a: {  	s1 =	srdreg.scid  }
0x8b: {  	s0 =	sand.u32 $0x1, s1  }
0x8c: {  	s14 =	sshll.u32 s0, $0xA;
	s2 =	sadd.s32 s3, s2  }
0x8d: {  	s2 =	sadd.s32 s2, s14  }
0x8e: {  	[smem:$0x3FBE] =	sst s2  }
0x8f: {  	_ = 	snop  }
0x90: {  	s2 =	sld [smem:$0x3FD0];
	_ =	sdelay $0x2  }
0x91: {  	s15 =	simm.s32 $0xA;
	s4 =	simm.s32 $0x10  }
0x92: {  	[smem:s4], [sflag:s15] =	dma.local [hbm:s2], $0x1  }
0x93: {  	_ =	swait.eq [sflag:s15], $0x1  }
0x94: {  	[sflag:s15] =	ssyncset.done $0x0  }
0x95: {  	[sflag:s15] =	ssyncadd.s32 $0xFFFFFFFF  }
0x96: {  	s16 =	sld [smem:$0x10];
	(tm) =	ssettm $0x1  }
0x97: {  	s17 =	sld [smem:$0x3FFB];
	_ =	sdelay $0x3  }
0x98: {  	_ =	strace s17  }
0x99: {  	s3 =	sld [smem:$0x3FFC];
	_ =	sdelay $0x3  }
0x9a: {  	_ =	strace s3  }
0x9b: {  	s3 =	sld [smem:$0x3FFD];
	_ =	sdelay $0x3  }
0x9c: {  	_ =	strace s3  }
0x9d: {  	_ =	strace $0x8FFFFFFF  }
0x9e: {  	s18 =	sld [smem:$0x3FDB];
	_ =	sdelay $0x1  }
0x9f: {  	s19 =	simm.s32 $_scs_section_size  }
0xa0: {  	s5 =	simm.s32 $_size__tile_overlayer_lowered;
	s6 =	simm.s32 $_tile_overlayer_lowered  }
0xa1: {  	s22 =	simm.s32 $0x1BFF;
	s21 =	sshll.u32 s6, $0x1;
	s3 =	sadd.s32 s19, s18  }
0xa2: {  	s7 =	simm.s32 $0x0;
	s20 =	sshll.u32 s5, $0x1;
	s5 =	sadd.s32 s21, s3  }
0xa3: {  	[timem:s7], [sflag:s22] =	dma.local [hbm:s5], s20  }
0xa4: {  	_ =	swait.ge [sflag:s22], s20  }
0xa5: {  	s4 =	ssub.s32 $0x0, s20;
	[sflag:s22] =	ssyncset.done $0x0  }
0xa6: {  	[sflag:s22] =	ssyncadd.s32 s4;
	_ =	sdelay $0x1  }
0xa7: {  	s23 =	simm.s32 $0x1B8B  }
0xa8: {  	_ =	swait.ge [sflag:s23], $0x1  }
0xa9: {  	[sflag:s23] =	ssyncset.done $0x0  }
0xaa: {  	s25 =	simm.s32 $0x1B8E;
	s24 =	sld [smem:$0x3FFE];
	[sflag:s23] =	ssyncadd.s32 $0xFFFFFFFF  }
0xab: {  	s26 =	simm.s32 $execute0_lowered;
	[smem:$0x3FD2] =	sst s25  }
0xac: {  	s5 =	sshll.u32 s26, $0x1;
	_ =	strace $0x80000049;
	[dreg:$0x1] =	wrdreg $0xFFFFFFFF  }
0xad: {  	s28 =	simm.s32 $_size_execute0_lowered;
	s3 =	sadd.s32 s3, s5;
	[dreg:$0x0] =	wrdreg $0x0  }
0xae: {  	s5 =	sshll.u32 s28, $0x1;
	[dreg:$0x2] =	wrdreg s3  }
0xaf: {  	[dreg:$0x3] =	wrdreg s5  }
0xb0: {  	[dreg:$0x4] =	wrdreg $0xC0  }
0xb1: {  	_ =	task [dreg:s7], $0x5FFFF  }
0xb2: {  	[dreg:$0x1] =	wrdreg $0xFFFFFFFF  }
0xb3: {  	[dreg:$0x0] =	wrdreg $0x60  }
0xb4: {  	[dreg:$0x2] =	wrdreg s24  }
0xb5: {  	[dreg:$0x3] =	wrdreg s16  }
0xb6: {  	[dreg:$0x4] =	wrdreg $0x9  }
0xb7: {  	_ =	task.clear_ibuf [dreg:s7], $0x5FFFF;
	_ =	strace $0x90000049  }
0xb8: {  	s29 =	simm.s32 $0x9;
	_ =	strace $0x8000004B  }
0xb9: {  	_ =	swait.ge [sflag:s29], $0x1  }
0xba: {  	[sflag:s29] =	ssyncadd.s32 $0xFFFFFFFF  }
0xbb: {  	_ =	strace $0x9000004B  }
0xbc: {  	_ =	sfence  }
0xbd: {  	s30 =	sld [smem:$0x0];
	_ =	sdelay $0x2  }
0xbe: {  	s31 =	sshll.u32 s1, $0xD;
	s1 =	sshrl.u32 s1, $0x2  }
0xbf: {  	s3 =	sand.u32 $0x4000, s31;
	s1 =	sadd.s32 s1, s30  }
0xc0: {  	s0 =	sor.u32 s3, s0;
	s1 =	sshll.u32 s1, $0x11  }
0xc1: {  	s0 =	sor.u32 s1, s0  }
0xc2: {  	s0 =	sadd.s32 $0x8F2B, s0  }
0xc3: {  	[sflag:s0] =	ssyncadd.remote.s32 $0x1  }
0xc4: {  	_ =	sfence.sel $0xFFFF  }
0xc5: {  	[dreg:$0x0] =	wrdreg $0xFFFFFFFF;
	(pc) =	sbr.abs _section_cstart, $3  }
0xc6: {  	[dreg:$0x1] =	wrdreg $0xFFFFFFFF  }
0xc7: {  	_ =	task.clear_ibuf [dreg:s7], $0x2FFFF;
	_ =	strace $0x9FFFFFFF  }
0xc8: {  	(tm) =	ssettm $0x7FFFFFFF  }
0xc9: {  	_ =	shalt  }
tec
execute0_lowered:
.L_overlay_start_1:
0x0: {  	(tag) =	ssettag $0x1  }
0x1: {  	s1 =	srdreg.scid  }
0x2: {  	s0 =	stileid.u32;
	s3 =	rddreg [dreg:$0x0]  }
0x3: {  	s5 =	rddreg [dreg:$0x1];
	s20 =	simm.s32 $0x2000;
	s21 =	simm.s32 $0x100  }
0x4: {  	s23 =	simm.s32 $0x3800;
	s24 =	simm.s32 $0x180;
	s25 =	simm.s32 $0x5000  }
0x5: {  	s26 =	simm.s32 $0x200;
	s7 =	simm.s32 $0x80;
	s11 =	simm.s32 $0x300  }
0x6: {  	s12 =	simm.s32 $0x9800;
	s13 =	simm.s32 $0x380;
	s14 =	simm.s32 $0xB000  }
0x7: {  	s15 =	simm.s32 $0x400;
	s16 =	simm.s32 $0xC800;
	s1 =	sand.u32 $0x1, s1  }
0x8: {  	s17 =	simm.s32 $0x480;
	s2 =	sshll.u32 s0, $0xC;
	s4 =	sshll.u32 s1, $0xB  }
0x9: {  	s18 =	simm.s32 $0xE000;
	s4 =	sor.u32 s4, s2;
	s2 =	simm.s32 $0x0  }
0xa: {  	p0 =	por $0x0, $0x0;
	s28 =	simm.s32 $0x700;
	[smem:$0x7FF] =	sst s2  }
0xb: {  	s29 =	simm.s32 $0x15800;
	_ =	strace $0x8000004A;
	[dreg:$0x5] =	wrdreg s20  }
0xc: {  	s30 =	simm.s32 $0x780;
	s1 =	ssub.s32 $0x2, s1;
	[dreg:$0x6] =	wrdreg s21  }
0xd: {  	s31 =	simm.s32 $0x17000;
	s22 =	sshrl.u32 s1, $0x1;
	[dreg:$0x7] =	wrdreg s23  }
0xe: {  	s6 =	smul.u32 $0x6, s4;
	s4 =	sshrl.u32 s4, $0x3;
	[dreg:$0x8] =	wrdreg s24  }
0xf: {  	s1 =	ssub.s32 s1, s22;
	s22 =	simm.s32 $0x11000;
	[dreg:$0x9] =	wrdreg s25  }
0x10: {  	s4 =	sadd.s32 s5, s4;
	s1 =	smax.u32 s1, $0x1;
	[dreg:$0xa] =	wrdreg s26  }
0x11: {  	s20 =	simm.s32 $0xF800;
	s21 =	simm.s32 $0x580;
	p1 =	sne.s32 s1, $0x1  }
.Ltmp0:
0x12: {  	s23 =	simm.s32 $0x600;
	s24 =	simm.s32 $0x12800;
	(pc) =	sbr.rel @!p1 .LBB2_3-.Ltmp0, $4  }
0x13: {  	s25 =	simm.s32 $0x680;
	s26 =	simm.s32 $0x14000;
	s5 =	simm.s32 $0x1  }
0x14: {  	s6 =	sadd.s32 s6, s3;
	[dreg:$0x3] =	wrdreg s4;
	s4 =	simm.s32 $0x800  }
0x15: {  	s8 =	sadd.s32 $0xFFFFFFFF, s1;
	s19 =	sadd.s32 $0x1A000, s6;
	s6 =	sadd.s32 $0x2000, s3  }
0x16: {  	s3 =	simm.s32 $0x2;
	[dreg:$0x4] =	wrdreg s19;
	s19 =	simm.s32 $0x500  }
0x17: {  	s0 =	rddreg [dreg:$0x3]  }
0x18: {  	[tilespmem:s2], [sflag:$0x2] =	stream.linear.gather [hbm4b:s0+s2], $0x800, $0x38;
	[tilespmem:$0x18800] =	vst v63  }
0x19: {  	_ =	swait.ge [sflag:s3], $0x800  }
0x1a: {  	s10 =	rddreg [dreg:$0x6]  }
0x1b: {  	s1 =	rddreg [dreg:$0x5]  }
0x1c: {  	s0 =	rddreg [dreg:$0x7]  }
0x1d: {  	[sflag:s3] =	ssyncset.done $0x0;
	[dreg:$0xb] =	wrdreg s10  }
0x1e: {  	[sflag:s3] =	ssyncadd.s32 $0xFFFFF800;
	s10 =	rddreg [dreg:$0x9]  }
0x1f: {  	[tilespmem:s4], [sflag:$0x1] =	stream.indirect.gather [hbm4b:s6+s7], $0x30, s2, s7, $0xb8;
	[tilespmem:$0x18800] =	vst v63  }
0x20: {  	[dreg:$0xc] =	wrdreg s10  }
0x21: {  	s10 =	rddreg [dreg:$0xb]  }
0x22: {  	[tilespmem:s1], [sflag:$0x1] =	stream.indirect.gather [hbm4b:s6+s7], $0x30, s7, s7, $0xb8;
	[tilespmem:$0x18800] =	vst v63  }
0x23: {  	s1 =	rddreg [dreg:$0x8]  }
0x24: {  	[tilespmem:s0], [sflag:$0x1] =	stream.indirect.gather [hbm4b:s6+s7], $0x30, s10, s7, $0xb8;
	[tilespmem:$0x18800] =	vst v63  }
0x25: {  	s10 =	rddreg [dreg:$0xc]  }
0x26: {  	[tilespmem:s10], [sflag:$0x1] =	stream.indirect.gather [hbm4b:s6+s7], $0x30, s1, s7, $0xb8;
	[tilespmem:$0x18800] =	vst v63  }
0x27: {  	s9 =	simm.s32 $0x6800;
	s0 =	rddreg [dreg:$0xa]  }
0x28: {  	[tilespmem:s9], [sflag:$0x1] =	stream.indirect.gather [hbm4b:s6+s7], $0x30, s0, s7, $0xb8;
	[tilespmem:$0x18800] =	vst v63  }
0x29: {  	s1 =	simm.s32 $0x280;
	s9 =	simm.s32 $0x8000  }
0x2a: {  	[tilespmem:s9], [sflag:$0x1] =	stream.indirect.gather [hbm4b:s6+s7], $0x30, s1, s7, $0xb8;
	[tilespmem:$0x18800] =	vst v63  }
0x2b: {  	_ = 	snop  }
0x2c: {  	[tilespmem:s12], [sflag:$0x1] =	stream.indirect.gather [hbm4b:s6+s7], $0x30, s11, s7, $0xb8;
	[tilespmem:$0x18800] =	vst v63  }
0x2d: {  	_ = 	snop  }
0x2e: {  	[tilespmem:s14], [sflag:$0x1] =	stream.indirect.gather [hbm4b:s6+s7], $0x30, s13, s7, $0xb8;
	[tilespmem:$0x18800] =	vst v63  }
0x2f: {  	_ = 	snop  }
0x30: {  	[tilespmem:s16], [sflag:$0x1] =	stream.indirect.gather [hbm4b:s6+s7], $0x30, s15, s7, $0xb8;
	[tilespmem:$0x18800] =	vst v63  }
0x31: {  	_ = 	snop  }
0x32: {  	[tilespmem:s18], [sflag:$0x1] =	stream.indirect.gather [hbm4b:s6+s7], $0x30, s17, s7, $0xb8;
	[tilespmem:$0x18800] =	vst v63  }
0x33: {  	_ = 	snop  }
0x34: {  	[tilespmem:s20], [sflag:$0x1] =	stream.indirect.gather [hbm4b:s6+s7], $0x30, s19, s7, $0xb8;
	[tilespmem:$0x18800] =	vst v63  }
0x35: {  	_ = 	snop  }
0x36: {  	[tilespmem:s22], [sflag:$0x1] =	stream.indirect.gather [hbm4b:s6+s7], $0x30, s21, s7, $0xb8;
	[tilespmem:$0x18800] =	vst v63  }
0x37: {  	_ = 	snop  }
0x38: {  	[tilespmem:s24], [sflag:$0x1] =	stream.indirect.gather [hbm4b:s6+s7], $0x30, s23, s7, $0xb8;
	[tilespmem:$0x18800] =	vst v63  }
0x39: {  	_ = 	snop  }
0x3a: {  	[tilespmem:s26], [sflag:$0x1] =	stream.indirect.gather [hbm4b:s6+s7], $0x30, s25, s7, $0xb8;
	[tilespmem:$0x18800] =	vst v63  }
0x3b: {  	_ = 	snop  }
0x3c: {  	[tilespmem:s29], [sflag:$0x1] =	stream.indirect.gather [hbm4b:s6+s7], $0x30, s28, s7, $0xb8;
	[tilespmem:$0x18800] =	vst v63  }
0x3d: {  	_ = 	snop  }
0x3e: {  	[tilespmem:s31], [sflag:$0x1] =	stream.indirect.gather [hbm4b:s6+s7], $0x30, s30, s7, $0xb8;
	[tilespmem:$0x18800] =	vst v63  }
0x3f: {  	_ =	swait.ge [sflag:s5], $0x1800  }
0x40: {  	[sflag:s5] =	ssyncset.done $0x0  }
0x41: {  	[sflag:s5] =	ssyncadd.s32 $0xFFFFE800  }
0x42: {  	_ =	swait.ge [sflag:s5], $0x1800  }
0x43: {  	[sflag:s5] =	ssyncset.done $0x0  }
0x44: {  	[sflag:s5] =	ssyncadd.s32 $0xFFFFE800  }
0x45: {  	_ =	swait.ge [sflag:s5], $0x1800  }
0x46: {  	[sflag:s5] =	ssyncset.done $0x0  }
0x47: {  	[sflag:s5] =	ssyncadd.s32 $0xFFFFE800  }
0x48: {  	_ =	swait.ge [sflag:s5], $0x1800  }
0x49: {  	[sflag:s5] =	ssyncset.done $0x0  }
0x4a: {  	[sflag:s5] =	ssyncadd.s32 $0xFFFFE800  }
0x4b: {  	_ =	swait.ge [sflag:s5], $0x1800  }
0x4c: {  	[sflag:s5] =	ssyncset.done $0x0  }
0x4d: {  	[sflag:s5] =	ssyncadd.s32 $0xFFFFE800  }
0x4e: {  	_ =	swait.ge [sflag:s5], $0x1800  }
0x4f: {  	[sflag:s5] =	ssyncset.done $0x0  }
0x50: {  	[sflag:s5] =	ssyncadd.s32 $0xFFFFE800  }
0x51: {  	_ =	swait.ge [sflag:s5], $0x1800  }
0x52: {  	[sflag:s5] =	ssyncset.done $0x0  }
0x53: {  	[sflag:s5] =	ssyncadd.s32 $0xFFFFE800  }
0x54: {  	_ =	swait.ge [sflag:s5], $0x1800  }
0x55: {  	[sflag:s5] =	ssyncset.done $0x0  }
0x56: {  	[sflag:s5] =	ssyncadd.s32 $0xFFFFE800  }
0x57: {  	_ =	swait.ge [sflag:s5], $0x1800  }
0x58: {  	[sflag:s5] =	ssyncset.done $0x0  }
0x59: {  	[sflag:s5] =	ssyncadd.s32 $0xFFFFE800  }
0x5a: {  	_ =	swait.ge [sflag:s5], $0x1800  }
0x5b: {  	[sflag:s5] =	ssyncset.done $0x0  }
0x5c: {  	[sflag:s5] =	ssyncadd.s32 $0xFFFFE800  }
0x5d: {  	_ =	swait.ge [sflag:s5], $0x1800  }
0x5e: {  	[sflag:s5] =	ssyncset.done $0x0  }
0x5f: {  	[sflag:s5] =	ssyncadd.s32 $0xFFFFE800  }
0x60: {  	_ =	swait.ge [sflag:s5], $0x1800  }
0x61: {  	[sflag:s5] =	ssyncset.done $0x0  }
0x62: {  	[sflag:s5] =	ssyncadd.s32 $0xFFFFE800  }
0x63: {  	_ =	swait.ge [sflag:s5], $0x1800  }
0x64: {  	[sflag:s5] =	ssyncset.done $0x0  }
0x65: {  	[sflag:s5] =	ssyncadd.s32 $0xFFFFE800  }
0x66: {  	_ =	swait.ge [sflag:s5], $0x1800  }
0x67: {  	[sflag:s5] =	ssyncset.done $0x0  }
0x68: {  	[sflag:s5] =	ssyncadd.s32 $0xFFFFE800  }
0x69: {  	_ =	swait.ge [sflag:s5], $0x1800  }
0x6a: {  	p1 =	sne.s32 s8, $0x1;
	[sflag:s5] =	ssyncset.done $0x0  }
.Ltmp1:
0x6b: {  	[sflag:s5] =	ssyncadd.s32 $0xFFFFE800;
	(pc) =	sbr.rel @!p1 .LBB2_3-.Ltmp1, $4  }
0x6c: {  	_ =	swait.ge [sflag:s5], $0x1800  }
0x6d: {  	p0 =	por $0x1, $0x1;
	[sflag:s5] =	ssyncset.done $0x0  }
0x6e: {  	s1 =	sadd.s32 $0xFFFFFFFF, s8;
	s10 =	rddreg [dreg:$0x4];
	[sflag:s5] =	ssyncadd.s32 $0xFFFFE800  }
0x6f: {  	[hbm4b:s10+s2] =	stream.linear.scatter [tilespmem:s4], [sflag:$0x2], $0x18000, $0x38;
	[tilespmem:$0x18800] =	vst v63  }
.LBB2_2:
0x70: {  	_ =	swait.ge [sflag:s3], $0x18000  }
0x71: {  	[sflag:s3] =	ssyncset.done $0x0  }
0x72: {  	s0 =	rddreg [dreg:$0x3];
	[sflag:s3] =	ssyncadd.s32 $0xFFFE8000  }
0x73: {  	[tilespmem:s2], [sflag:$0x2] =	stream.linear.gather [hbm4b:s0+s2], $0x800, $0x38;
	[tilespmem:$0x18800] =	vst v63  }
0x74: {  	_ =	swait.ge [sflag:s3], $0x800  }
0x75: {  	s0 =	rddreg [dreg:$0x6];
	[sflag:s3] =	ssyncset.done $0x0  }
0x76: {  	s8 =	rddreg [dreg:$0x5];
	[sflag:s3] =	ssyncadd.s32 $0xFFFFF800  }
0x77: {  	[tilespmem:s4], [sflag:$0x1] =	stream.indirect.gather [hbm4b:s6+s7], $0x30, s2, s7, $0xb8;
	[tilespmem:$0x18800] =	vst v63  }
0x78: {  	s9 =	rddreg [dreg:$0x7]  }
0x79: {  	[tilespmem:s8], [sflag:$0x1] =	stream.indirect.gather [hbm4b:s6+s7], $0x30, s7, s7, $0xb8;
	[tilespmem:$0x18800] =	vst v63  }
0x7a: {  	s10 =	rddreg [dreg:$0x9]  }
0x7b: {  	[tilespmem:s9], [sflag:$0x1] =	stream.indirect.gather [hbm4b:s6+s7], $0x30, s0, s7, $0xb8;
	[tilespmem:$0x18800] =	vst v63  }
0x7c: {  	s8 =	rddreg [dreg:$0x8]  }
0x7d: {  	[tilespmem:s10], [sflag:$0x1] =	stream.indirect.gather [hbm4b:s6+s7], $0x30, s8, s7, $0xb8;
	[tilespmem:$0x18800] =	vst v63  }
0x7e: {  	s0 =	rddreg [dreg:$0xa];
	s8 =	simm.s32 $0x6800  }
0x7f: {  	[tilespmem:s8], [sflag:$0x1] =	stream.indirect.gather [hbm4b:s6+s7], $0x30, s0, s7, $0xb8;
	[tilespmem:$0x18800] =	vst v63  }
0x80: {  	s9 =	simm.s32 $0x280;
	s10 =	simm.s32 $0x8000  }
0x81: {  	[tilespmem:s10], [sflag:$0x1] =	stream.indirect.gather [hbm4b:s6+s7], $0x30, s9, s7, $0xb8;
	[tilespmem:$0x18800] =	vst v63  }
0x82: {  	_ = 	snop  }
0x83: {  	[tilespmem:s12], [sflag:$0x1] =	stream.indirect.gather [hbm4b:s6+s7], $0x30, s11, s7, $0xb8;
	[tilespmem:$0x18800] =	vst v63  }
0x84: {  	_ = 	snop  }
0x85: {  	[tilespmem:s14], [sflag:$0x1] =	stream.indirect.gather [hbm4b:s6+s7], $0x30, s13, s7, $0xb8;
	[tilespmem:$0x18800] =	vst v63  }
0x86: {  	_ = 	snop  }
0x87: {  	[tilespmem:s16], [sflag:$0x1] =	stream.indirect.gather [hbm4b:s6+s7], $0x30, s15, s7, $0xb8;
	[tilespmem:$0x18800] =	vst v63  }
0x88: {  	_ = 	snop  }
0x89: {  	[tilespmem:s18], [sflag:$0x1] =	stream.indirect.gather [hbm4b:s6+s7], $0x30, s17, s7, $0xb8;
	[tilespmem:$0x18800] =	vst v63  }
0x8a: {  	_ = 	snop  }
0x8b: {  	[tilespmem:s20], [sflag:$0x1] =	stream.indirect.gather [hbm4b:s6+s7], $0x30, s19, s7, $0xb8;
	[tilespmem:$0x18800] =	vst v63  }
0x8c: {  	_ = 	snop  }
0x8d: {  	[tilespmem:s22], [sflag:$0x1] =	stream.indirect.gather [hbm4b:s6+s7], $0x30, s21, s7, $0xb8;
	[tilespmem:$0x18800] =	vst v63  }
0x8e: {  	_ = 	snop  }
0x8f: {  	[tilespmem:s24], [sflag:$0x1] =	stream.indirect.gather [hbm4b:s6+s7], $0x30, s23, s7, $0xb8;
	[tilespmem:$0x18800] =	vst v63  }
0x90: {  	_ = 	snop  }
0x91: {  	[tilespmem:s26], [sflag:$0x1] =	stream.indirect.gather [hbm4b:s6+s7], $0x30, s25, s7, $0xb8;
	[tilespmem:$0x18800] =	vst v63  }
0x92: {  	_ = 	snop  }
0x93: {  	[tilespmem:s29], [sflag:$0x1] =	stream.indirect.gather [hbm4b:s6+s7], $0x30, s28, s7, $0xb8;
	[tilespmem:$0x18800] =	vst v63  }
0x94: {  	_ = 	snop  }
0x95: {  	[tilespmem:s31], [sflag:$0x1] =	stream.indirect.gather [hbm4b:s6+s7], $0x30, s30, s7, $0xb8;
	[tilespmem:$0x18800] =	vst v63  }
0x96: {  	_ =	swait.ge [sflag:s5], $0x1800  }
0x97: {  	[sflag:s5] =	ssyncset.done $0x0  }
0x98: {  	[sflag:s5] =	ssyncadd.s32 $0xFFFFE800  }
0x99: {  	_ =	swait.ge [sflag:s5], $0x1800  }
0x9a: {  	[sflag:s5] =	ssyncset.done $0x0  }
0x9b: {  	[sflag:s5] =	ssyncadd.s32 $0xFFFFE800  }
0x9c: {  	_ =	swait.ge [sflag:s5], $0x1800  }
0x9d: {  	[sflag:s5] =	ssyncset.done $0x0  }
0x9e: {  	[sflag:s5] =	ssyncadd.s32 $0xFFFFE800  }
0x9f: {  	_ =	swait.ge [sflag:s5], $0x1800  }
0xa0: {  	[sflag:s5] =	ssyncset.done $0x0  }
0xa1: {  	[sflag:s5] =	ssyncadd.s32 $0xFFFFE800  }
0xa2: {  	_ =	swait.ge [sflag:s5], $0x1800  }
0xa3: {  	[sflag:s5] =	ssyncset.done $0x0  }
0xa4: {  	[sflag:s5] =	ssyncadd.s32 $0xFFFFE800  }
0xa5: {  	_ =	swait.ge [sflag:s5], $0x1800  }
0xa6: {  	[sflag:s5] =	ssyncset.done $0x0  }
0xa7: {  	[sflag:s5] =	ssyncadd.s32 $0xFFFFE800  }
0xa8: {  	_ =	swait.ge [sflag:s5], $0x1800  }
0xa9: {  	[sflag:s5] =	ssyncset.done $0x0  }
0xaa: {  	[sflag:s5] =	ssyncadd.s32 $0xFFFFE800  }
0xab: {  	_ =	swait.ge [sflag:s5], $0x1800  }
0xac: {  	[sflag:s5] =	ssyncset.done $0x0  }
0xad: {  	[sflag:s5] =	ssyncadd.s32 $0xFFFFE800  }
0xae: {  	_ =	swait.ge [sflag:s5], $0x1800  }
0xaf: {  	[sflag:s5] =	ssyncset.done $0x0  }
0xb0: {  	[sflag:s5] =	ssyncadd.s32 $0xFFFFE800  }
0xb1: {  	_ =	swait.ge [sflag:s5], $0x1800  }
0xb2: {  	[sflag:s5] =	ssyncset.done $0x0  }
0xb3: {  	[sflag:s5] =	ssyncadd.s32 $0xFFFFE800  }
0xb4: {  	_ =	swait.ge [sflag:s5], $0x1800  }
0xb5: {  	[sflag:s5] =	ssyncset.done $0x0  }
0xb6: {  	[sflag:s5] =	ssyncadd.s32 $0xFFFFE800  }
0xb7: {  	_ =	swait.ge [sflag:s5], $0x1800  }
0xb8: {  	[sflag:s5] =	ssyncset.done $0x0  }
0xb9: {  	[sflag:s5] =	ssyncadd.s32 $0xFFFFE800  }
0xba: {  	_ =	swait.ge [sflag:s5], $0x1800  }
0xbb: {  	[sflag:s5] =	ssyncset.done $0x0  }
0xbc: {  	[sflag:s5] =	ssyncadd.s32 $0xFFFFE800  }
0xbd: {  	_ =	swait.ge [sflag:s5], $0x1800  }
0xbe: {  	[sflag:s5] =	ssyncset.done $0x0  }
0xbf: {  	[sflag:s5] =	ssyncadd.s32 $0xFFFFE800  }
0xc0: {  	_ =	swait.ge [sflag:s5], $0x1800  }
0xc1: {  	p1 =	sne.s32 s1, $0x1;
	[sflag:s5] =	ssyncset.done $0x0  }
.Ltmp2:
0xc2: {  	[sflag:s5] =	ssyncadd.s32 $0xFFFFE800;
	(pc) =	sbr.rel @p1 .LBB2_2-.Ltmp2, $4  }
0xc3: {  	_ =	swait.ge [sflag:s5], $0x1800  }
0xc4: {  	[sflag:s5] =	ssyncset.done $0x0  }
0xc5: {  	s1 =	sadd.s32 $0xFFFFFFFF, s1;
	s10 =	rddreg [dreg:$0x4];
	[sflag:s5] =	ssyncadd.s32 $0xFFFFE800  }
0xc6: {  	[hbm4b:s10+s2] =	stream.linear.scatter [tilespmem:s4], [sflag:$0x2], $0x18000, $0x38;
	[tilespmem:$0x18800] =	vst v63  }
.LBB2_3:
0xc7: {  	_ =	swait.ge @p0 [sflag:s3], $0x18000  }
0xc8: {  	[sflag:s3] =	ssyncset.done @p0 $0x0  }
0xc9: {  	s0 =	rddreg [dreg:$0x3];
	[sflag:s3] =	ssyncadd.s32 @p0 $0xFFFE8000  }
0xca: {  	[tilespmem:s2], [sflag:$0x2] =	stream.linear.gather [hbm4b:s0+s2], $0x800, $0x38;
	[tilespmem:$0x18800] =	vst v63  }
0xcb: {  	_ =	swait.ge [sflag:s3], $0x800  }
0xcc: {  	[sflag:s3] =	ssyncset.done $0x0;
	s10 =	rddreg [dreg:$0x5]  }
0xcd: {  	s0 =	rddreg [dreg:$0x6];
	[sflag:s3] =	ssyncadd.s32 $0xFFFFF800  }
0xce: {  	[tilespmem:s4], [sflag:$0x1] =	stream.indirect.gather [hbm4b:s6+s7], $0x30, s2, s7, $0xb8;
	[tilespmem:$0x18800] =	vst v63  }
0xcf: {  	s1 =	rddreg [dreg:$0x7]  }
0xd0: {  	[tilespmem:s10], [sflag:$0x1] =	stream.indirect.gather [hbm4b:s6+s7], $0x30, s7, s7, $0xb8;
	[tilespmem:$0x18800] =	vst v63  }
0xd1: {  	s8 =	rddreg [dreg:$0x9]  }
0xd2: {  	[tilespmem:s1], [sflag:$0x1] =	stream.indirect.gather [hbm4b:s6+s7], $0x30, s0, s7, $0xb8;
	[tilespmem:$0x18800] =	vst v63  }
0xd3: {  	s9 =	rddreg [dreg:$0x8]  }
0xd4: {  	[tilespmem:s8], [sflag:$0x1] =	stream.indirect.gather [hbm4b:s6+s7], $0x30, s9, s7, $0xb8;
	[tilespmem:$0x18800] =	vst v63  }
0xd5: {  	s10 =	simm.s32 $0x6800;
	s1 =	rddreg [dreg:$0xa]  }
0xd6: {  	[tilespmem:s10], [sflag:$0x1] =	stream.indirect.gather [hbm4b:s6+s7], $0x30, s1, s7, $0xb8;
	[tilespmem:$0x18800] =	vst v63  }
0xd7: {  	s9 =	simm.s32 $0x8000;
	s10 =	simm.s32 $0x280  }
0xd8: {  	[tilespmem:s9], [sflag:$0x1] =	stream.indirect.gather [hbm4b:s6+s7], $0x30, s10, s7, $0xb8;
	[tilespmem:$0x18800] =	vst v63  }
0xd9: {  	_ = 	snop  }
0xda: {  	[tilespmem:s12], [sflag:$0x1] =	stream.indirect.gather [hbm4b:s6+s7], $0x30, s11, s7, $0xb8;
	[tilespmem:$0x18800] =	vst v63  }
0xdb: {  	_ = 	snop  }
0xdc: {  	[tilespmem:s14], [sflag:$0x1] =	stream.indirect.gather [hbm4b:s6+s7], $0x30, s13, s7, $0xb8;
	[tilespmem:$0x18800] =	vst v63  }
0xdd: {  	_ = 	snop  }
0xde: {  	[tilespmem:s16], [sflag:$0x1] =	stream.indirect.gather [hbm4b:s6+s7], $0x30, s15, s7, $0xb8;
	[tilespmem:$0x18800] =	vst v63  }
0xdf: {  	_ = 	snop  }
0xe0: {  	[tilespmem:s18], [sflag:$0x1] =	stream.indirect.gather [hbm4b:s6+s7], $0x30, s17, s7, $0xb8;
	[tilespmem:$0x18800] =	vst v63  }
0xe1: {  	_ = 	snop  }
0xe2: {  	[tilespmem:s20], [sflag:$0x1] =	stream.indirect.gather [hbm4b:s6+s7], $0x30, s19, s7, $0xb8;
	[tilespmem:$0x18800] =	vst v63  }
0xe3: {  	_ = 	snop  }
0xe4: {  	[tilespmem:s22], [sflag:$0x1] =	stream.indirect.gather [hbm4b:s6+s7], $0x30, s21, s7, $0xb8;
	[tilespmem:$0x18800] =	vst v63  }
0xe5: {  	_ = 	snop  }
0xe6: {  	[tilespmem:s24], [sflag:$0x1] =	stream.indirect.gather [hbm4b:s6+s7], $0x30, s23, s7, $0xb8;
	[tilespmem:$0x18800] =	vst v63  }
0xe7: {  	_ = 	snop  }
0xe8: {  	[tilespmem:s26], [sflag:$0x1] =	stream.indirect.gather [hbm4b:s6+s7], $0x30, s25, s7, $0xb8;
	[tilespmem:$0x18800] =	vst v63  }
0xe9: {  	_ = 	snop  }
0xea: {  	[tilespmem:s29], [sflag:$0x1] =	stream.indirect.gather [hbm4b:s6+s7], $0x30, s28, s7, $0xb8;
	[tilespmem:$0x18800] =	vst v63  }
0xeb: {  	_ = 	snop  }
0xec: {  	[tilespmem:s31], [sflag:$0x1] =	stream.indirect.gather [hbm4b:s6+s7], $0x30, s30, s7, $0xb8;
	[tilespmem:$0x18800] =	vst v63  }
0xed: {  	_ =	swait.ge [sflag:s5], $0x1800  }
0xee: {  	[sflag:s5] =	ssyncset.done $0x0  }
0xef: {  	[sflag:s5] =	ssyncadd.s32 $0xFFFFE800  }
0xf0: {  	_ =	swait.ge [sflag:s5], $0x1800  }
0xf1: {  	[sflag:s5] =	ssyncset.done $0x0  }
0xf2: {  	[sflag:s5] =	ssyncadd.s32 $0xFFFFE800  }
0xf3: {  	_ =	swait.ge [sflag:s5], $0x1800  }
0xf4: {  	[sflag:s5] =	ssyncset.done $0x0  }
0xf5: {  	[sflag:s5] =	ssyncadd.s32 $0xFFFFE800  }
0xf6: {  	_ =	swait.ge [sflag:s5], $0x1800  }
0xf7: {  	[sflag:s5] =	ssyncset.done $0x0  }
0xf8: {  	[sflag:s5] =	ssyncadd.s32 $0xFFFFE800  }
0xf9: {  	_ =	swait.ge [sflag:s5], $0x1800  }
0xfa: {  	[sflag:s5] =	ssyncset.done $0x0  }
0xfb: {  	[sflag:s5] =	ssyncadd.s32 $0xFFFFE800  }
0xfc: {  	_ =	swait.ge [sflag:s5], $0x1800  }
0xfd: {  	[sflag:s5] =	ssyncset.done $0x0  }
0xfe: {  	[sflag:s5] =	ssyncadd.s32 $0xFFFFE800  }
0xff: {  	_ =	swait.ge [sflag:s5], $0x1800  }
0x100: {  	[sflag:s5] =	ssyncset.done $0x0  }
0x101: {  	[sflag:s5] =	ssyncadd.s32 $0xFFFFE800  }
0x102: {  	_ =	swait.ge [sflag:s5], $0x1800  }
0x103: {  	[sflag:s5] =	ssyncset.done $0x0  }
0x104: {  	[sflag:s5] =	ssyncadd.s32 $0xFFFFE800  }
0x105: {  	_ =	swait.ge [sflag:s5], $0x1800  }
0x106: {  	[sflag:s5] =	ssyncset.done $0x0  }
0x107: {  	[sflag:s5] =	ssyncadd.s32 $0xFFFFE800  }
0x108: {  	_ =	swait.ge [sflag:s5], $0x1800  }
0x109: {  	[sflag:s5] =	ssyncset.done $0x0  }
0x10a: {  	[sflag:s5] =	ssyncadd.s32 $0xFFFFE800  }
0x10b: {  	_ =	swait.ge [sflag:s5], $0x1800  }
0x10c: {  	[sflag:s5] =	ssyncset.done $0x0  }
0x10d: {  	[sflag:s5] =	ssyncadd.s32 $0xFFFFE800  }
0x10e: {  	_ =	swait.ge [sflag:s5], $0x1800  }
0x10f: {  	[sflag:s5] =	ssyncset.done $0x0  }
0x110: {  	[sflag:s5] =	ssyncadd.s32 $0xFFFFE800  }
0x111: {  	_ =	swait.ge [sflag:s5], $0x1800  }
0x112: {  	[sflag:s5] =	ssyncset.done $0x0  }
0x113: {  	[sflag:s5] =	ssyncadd.s32 $0xFFFFE800  }
0x114: {  	_ =	swait.ge [sflag:s5], $0x1800  }
0x115: {  	[sflag:s5] =	ssyncset.done $0x0  }
0x116: {  	[sflag:s5] =	ssyncadd.s32 $0xFFFFE800  }
0x117: {  	_ =	swait.ge [sflag:s5], $0x1800  }
0x118: {  	[sflag:s5] =	ssyncset.done $0x0  }
0x119: {  	[sflag:s5] =	ssyncadd.s32 $0xFFFFE800  }
0x11a: {  	_ =	swait.ge [sflag:s5], $0x1800  }
0x11b: {  	[sflag:s5] =	ssyncset.done $0x0  }
0x11c: {  	s30 =	rddreg [dreg:$0x4];
	[sflag:s5] =	ssyncadd.s32 $0xFFFFE800  }
0x11d: {  	[hbm4b:s30+s2] =	stream.linear.scatter [tilespmem:s4], [sflag:$0x2], $0x18000, $0x38;
	[tilespmem:$0x18800] =	vst v63  }
0x11e: {  	_ =	swait.ge [sflag:s3], $0x18000  }
0x11f: {  	[sflag:s3] =	ssyncset.done $0x0  }
0x120: {  	[sflag:s3] =	ssyncadd.s32 $0xFFFE8000  }
0x121: {  	_ =	sfence.sel $0x180000  }
0x122: {  	[bflag:$0x0] =	sbarrier.arrive $0xFFFF  }
0x123: {  	_ =	strace $0x9000004A  }
0x124: {  	s31 =	stileid.u32;
	[bflag:$0x2] =	sbarrier.arrive $0xFFFF  }
0x125: {  	p0 =	sne.s32 s31, $0x0;
	s0 =	rddreg [dreg:$0x2]  }
0x126: {  	s0 =	sadd.s32 @!p0 $0x100000, s0  }
0x127: {  	[sflag:s0] =	ssyncadd.tile.s32 @!p0 $0x1;
	_ =	shalt  }
.Lfunc_end2:
_tile_overlayer_lowered:
.L_overlay_start_2:
0x128: {  	(tag) =	ssettag $0x2  }
0x129: {  	s0 =	rddreg [dreg:$0x0];
	s2 =	stileid.u32  }
0x12a: {  	s1 =	rddreg [dreg:$0x1];
	p0 =	sne.s32 s2, $0x0  }
0x12b: {  	s3 =	rddreg [dreg:$0x2];
	[bflag:$0x3] =	sbarrier.arrive $0xFFFF;
	s2 =	simm.s32 @!p0 $0x1C02  }
0x12c: {  	[timem:s3], [sflag:s2] =	dma.local @!p0 [hbm:s0], s1  }
0x12d: {  	s0 =	simm.s32 @!p0 $0x2  }
0x12e: {  	_ =	swait.ge @!p0 [sflag:s0], s1  }
0x12f: {  	s1 =	ssub.s32 @!p0 $0x0, s1;
	[sflag:s0] =	ssyncset.done @!p0 $0x0  }
0x130: {  	[sflag:s0] =	ssyncadd.s32 @!p0 s1  }
0x131: {  	[bflag:$0x3] =	sbarrier.arrive $0xFFFF  }
0x132: {  	_ =	shalt  }

// kernel: kernel.9.cloned.1.call-start
scs
__scs_entry_jumppad:
0x0: {  	(pc) =	sbr.rel $0x88, $3  }
0x1: {  	(tag) =	ssettag $0x0;
	lr =	simm.s32 $0x1  }
0x2: {  	[smem:$0x3F97] =	sst lr;
	_ =	strace $0xD0000000  }
0x3: {  	_ = 	snop  }
0x4: {  	_ = 	snop  }
0x5: {  	_ = 	snop  }
0x6: {  	_ = 	snop  }
0x7: {  	_ = 	snop  }
__scs_overlays_trampoline_lowered:
0x8: {  	[smem:$0x3FA6] =	sst s0  }
0x9: {  	[smem:$0x3FA7] =	sst s1  }
0xa: {  	[smem:$0x3FA8] =	sst s2  }
0xb: {  	[smem:$0x3FA9] =	sst s3  }
0xc: {  	[smem:$0x3FAA] =	sst s4  }
0xd: {  	[smem:$0x3FAB] =	sst s5  }
0xe: {  	[smem:$0x3FAC] =	sst s6  }
0xf: {  	[smem:$0x3FAD] =	sst s7  }
0x10: {  	[smem:$0x3FAE] =	sst s8  }
0x11: {  	[smem:$0x3FAF] =	sst s9;
	s0 =	simm.s32 @!p0 $0x0  }
0x12: {  	s1 =	sld [smem:$0x3F95];
	s0 =	simm.s32 @p0 $0x1  }
0x13: {  	[smem:$0x3FB0] =	sst s0;
	s0 =	simm.s32 @!p1 $0x0  }
0x14: {  	s2 =	sld [smem:$0x3F94];
	s0 =	simm.s32 @p1 $0x1  }
0x15: {  	[smem:$0x3FB1] =	sst s0;
	s0 =	simm.s32 @!p2 $0x0  }
0x16: {  	s3 =	sld [smem:$0x3FDB];
	s0 =	simm.s32 @p2 $0x1  }
0x17: {  	s4 =	simm.s32 $0x1BF5;
	[smem:$0x3FB3] =	sst s0  }
0x18: {  	s0 =	sld [smem:$0x3F96];
	_ =	swait.ge [sflag:s4], $0x0  }
0x19: {  	s7 =	sld [smem:$0x3F97]  }
0x1a: {  	s8 =	sadd.s32 $0xFFFFE003, lr  }
0x1b: {  	s9 =	sadd.s32 $0xFFFFFEF7, lr;
	s5 =	simm.s32 $0xFFFFFFFF;
	p2 =	slt.u32 s8, $0xFFFFF086  }
0x1c: {  	p1 =	slt.u32 s9, $0xF7A;
	s5 =	simm.s32 @!p2 $0x0  }
0x1d: {  	s5 =	simm.s32 @p1 $0x1;
	p0 =	seq.s32 s7, s2  }
0x1e: {  	s7 =	smul.u32 @!p0 $0xF7A, s2;
	p2 =	seq.s32 @!p0 s5, $0x0  }
0x1f: {  	s9 =	smul.u32 $0xF7A, s1;
	s8 =	simm.s32 @!p0 $0x1BF5;
	p2 =	por !p2, p0  }
0x20: {  	[sflag:s8] =	ssyncset.s32 @!p0 $0xFFFFF086;
	s6 =	sadd.s32 @!p0 s3, s7;
	s7 =	simm.s32 @!p0 $0x108  }
0x21: {  	s3 =	sadd.s32 s3, s9;
	s6 =	sadd.s32 @!p0 $0x88, s6;
	s7 =	simm.s32 @p2 $0x1082  }
0x22: {  	[simem:s7], [sflag:s8] =	dma.local @!p0 [hbm:s6], $0xF7A  }
0x23: {  	s9 =	sor.u32 $0xD0000000, s2;
	s6 =	simm.s32 $0x108;
	_ =	swait.ge @!p0 [sflag:s8], $0x0  }
0x24: {  	s3 =	sadd.s32 $0x88, s3;
	s6 =	simm.s32 @!p1 $0x1082;
	[sflag:s4] =	ssyncset.s32 $0xFFFFF086  }
0x25: {  	[simem:s6], [sflag:s4] =	dma.local [hbm:s3], $0xF7A  }
0x26: {  	[smem:$0x3F97] =	sst s1;
	(tag) =	ssettag s2;
	_ =	strace s9  }
0x27: {  	s1 =	sld [smem:$0x3FA7]  }
0x28: {  	s2 =	sld [smem:$0x3FA8]  }
0x29: {  	s4 =	sld [smem:$0x3FAA]  }
0x2a: {  	p0 =	seq.s32 s5, $0x0;
	s5 =	sld [smem:$0x3FAB]  }
0x2b: {  	s6 =	sld [smem:$0x3FAC]  }
0x2c: {  	s7 =	sld [smem:$0x3FAD]  }
0x2d: {  	s3 =	simm.s32 $0x108;
	s8 =	sld [smem:$0x3FAE]  }
0x2e: {  	s3 =	simm.s32 @!p0 $0x1082;
	s9 =	sld [smem:$0x3FAF]  }
0x2f: {  	lr =	sadd.s32 s0, s3;
	s0 =	sld [smem:$0x3FA6]  }
0x30: {  	s3 =	sld [smem:$0x3FA9]  }
0x31: {  	[smem:$0x3FB2] =	sst s10  }
0x32: {  	s10 =	sld [smem:$0x3FB0];
	_ =	sdelay $0x3  }
0x33: {  	p0 =	seq.s32 s10, $0x1;
	s10 =	sld [smem:$0x3FB2];
	_ =	sdelay $0x3  }
0x34: {  	[smem:$0x3FB2] =	sst s10  }
0x35: {  	s10 =	sld [smem:$0x3FB1];
	_ =	sdelay $0x3  }
0x36: {  	p1 =	seq.s32 s10, $0x1;
	s10 =	sld [smem:$0x3FB2];
	_ =	sdelay $0x3  }
0x37: {  	[smem:$0x3FB2] =	sst s10  }
0x38: {  	s10 =	sld [smem:$0x3FB3]  }
0x39: {  	_ = 	snop;
	(pc) =	sbr.ind lr, $3  }
0x3a: {  	_ = 	snop  }
0x3b: {  	_ = 	snop  }
0x3c: {  	p2 =	seq.s32 s10, $0x1;
	s10 =	sld [smem:$0x3FB2]  }
0x3d: {  	_ =	shalt  }
0x3e: {  	_ =	shalt  }
0x3f: {  	_ =	shalt  }
0x40: {  	_ =	shalt  }
0x41: {  	_ =	shalt  }
0x42: {  	_ =	shalt  }
0x43: {  	_ =	shalt  }
0x44: {  	_ =	shalt  }
0x45: {  	_ =	shalt  }
0x46: {  	_ =	shalt  }
0x47: {  	_ =	shalt  }
0x48: {  	_ =	shalt  }
0x49: {  	_ =	shalt  }
0x4a: {  	_ =	shalt  }
0x4b: {  	_ =	shalt  }
0x4c: {  	_ =	shalt  }
0x4d: {  	_ =	shalt  }
0x4e: {  	_ =	shalt  }
0x4f: {  	_ =	shalt  }
0x50: {  	_ =	shalt  }
0x51: {  	_ =	shalt  }
0x52: {  	_ =	shalt  }
0x53: {  	_ =	shalt  }
0x54: {  	_ =	shalt  }
0x55: {  	_ =	shalt  }
0x56: {  	_ =	shalt  }
0x57: {  	_ =	shalt  }
0x58: {  	_ =	shalt  }
0x59: {  	_ =	shalt  }
0x5a: {  	_ =	shalt  }
0x5b: {  	_ =	shalt  }
0x5c: {  	_ =	shalt  }
0x5d: {  	_ =	shalt  }
0x5e: {  	_ =	shalt  }
0x5f: {  	_ =	shalt  }
0x60: {  	_ =	shalt  }
0x61: {  	_ =	shalt  }
0x62: {  	_ =	shalt  }
0x63: {  	_ =	shalt  }
0x64: {  	_ =	shalt  }
0x65: {  	_ =	shalt  }
0x66: {  	_ =	shalt  }
0x67: {  	_ =	shalt  }
0x68: {  	_ =	shalt  }
0x69: {  	_ =	shalt  }
0x6a: {  	_ =	shalt  }
0x6b: {  	_ =	shalt  }
0x6c: {  	_ =	shalt  }
0x6d: {  	_ =	shalt  }
0x6e: {  	_ =	shalt  }
0x6f: {  	_ =	shalt  }
0x70: {  	_ =	shalt  }
0x71: {  	_ =	shalt  }
0x72: {  	_ =	shalt  }
0x73: {  	_ =	shalt  }
0x74: {  	_ =	shalt  }
0x75: {  	_ =	shalt  }
0x76: {  	_ =	shalt  }
0x77: {  	_ =	shalt  }
0x78: {  	_ =	shalt  }
0x79: {  	_ =	shalt  }
0x7a: {  	_ =	shalt  }
0x7b: {  	_ =	shalt  }
0x7c: {  	_ =	shalt  }
0x7d: {  	_ =	shalt  }
0x7e: {  	_ =	shalt  }
0x7f: {  	_ =	shalt  }
0x80: {  	_ =	shalt  }
0x81: {  	_ =	shalt  }
0x82: {  	_ =	shalt  }
0x83: {  	_ =	shalt  }
0x84: {  	_ =	shalt  }
0x85: {  	_ =	shalt  }
0x86: {  	_ =	shalt  }
0x87: {  	_ =	shalt  }
.Lfunc_end0:
.L_simem_size_0:
called_computation_lowered:
.L_overlay_start_0:
0x88: {  	s2 =	sld [smem:$0x3FD9]  }
0x89: {  	s3 =	sld [smem:$0x3FFE];
	_ =	sdelay $0x1  }
0x8a: {  	s1 =	srdreg.scid  }
0x8b: {  	s0 =	sand.u32 $0x1, s1  }
0x8c: {  	s14 =	sshll.u32 s0, $0xA;
	s2 =	sadd.s32 s3, s2  }
0x8d: {  	s2 =	sadd.s32 s2, s14  }
0x8e: {  	[smem:$0x3FBE] =	sst s2  }
0x8f: {  	_ = 	snop  }
0x90: {  	s2 =	sld [smem:$0x3FD0];
	_ =	sdelay $0x2  }
0x91: {  	s15 =	simm.s32 $0xA;
	s4 =	simm.s32 $0x10  }
0x92: {  	[smem:s4], [sflag:s15] =	dma.local [hbm:s2], $0x1  }
0x93: {  	_ =	swait.eq [sflag:s15], $0x1  }
0x94: {  	[sflag:s15] =	ssyncset.done $0x0  }
0x95: {  	s16 =	sld [smem:$0x10];
	[sflag:s15] =	ssyncadd.s32 $0xFFFFFFFF  }
0x96: {  	s17 =	sld [smem:$0x11];
	(tm) =	ssettm $0x1  }
0x97: {  	s18 =	sld [smem:$0x3FFB];
	_ =	sdelay $0x3  }
0x98: {  	_ =	strace s18  }
0x99: {  	s4 =	sld [smem:$0x3FFC];
	_ =	sdelay $0x3  }
0x9a: {  	_ =	strace s4  }
0x9b: {  	s4 =	sld [smem:$0x3FFD];
	_ =	sdelay $0x3  }
0x9c: {  	_ =	strace s4  }
0x9d: {  	_ =	strace $0x8FFFFFFF  }
0x9e: {  	s19 =	sld [smem:$0x3FDB];
	_ =	sdelay $0x1  }
0x9f: {  	s5 =	simm.s32 $_scs_section_size  }
0xa0: {  	s6 =	simm.s32 $_size__tile_overlayer_lowered;
	s7 =	simm.s32 $_tile_overlayer_lowered  }
0xa1: {  	s22 =	simm.s32 $0x1BFF;
	s21 =	sshll.u32 s7, $0x1;
	s4 =	sadd.s32 s5, s19  }
0xa2: {  	s8 =	simm.s32 $0x0;
	s20 =	sshll.u32 s6, $0x1;
	s6 =	sadd.s32 s21, s4  }
0xa3: {  	[timem:s8], [sflag:s22] =	dma.local [hbm:s6], s20  }
0xa4: {  	_ =	swait.ge [sflag:s22], s20  }
0xa5: {  	s5 =	ssub.s32 $0x0, s20;
	[sflag:s22] =	ssyncset.done $0x0  }
0xa6: {  	[sflag:s22] =	ssyncadd.s32 s5;
	_ =	sdelay $0x1  }
0xa7: {  	s23 =	simm.s32 $0x1B8B  }
0xa8: {  	_ =	swait.ge [sflag:s23], $0x1  }
0xa9: {  	[sflag:s23] =	ssyncset.done $0x0  }
0xaa: {  	s25 =	simm.s32 $0x1B8E;
	s24 =	sld [smem:$0x3FFE];
	[sflag:s23] =	ssyncadd.s32 $0xFFFFFFFF  }
0xab: {  	s26 =	simm.s32 $execute0_lowered;
	[smem:$0x3FD2] =	sst s25  }
0xac: {  	s6 =	sshll.u32 s26, $0x1;
	_ =	strace $0x80000046;
	[dreg:$0x1] =	wrdreg $0xFFFFFFFF  }
0xad: {  	s28 =	simm.s32 $_size_execute0_lowered;
	s4 =	sadd.s32 s4, s6;
	[dreg:$0x0] =	wrdreg $0x0  }
0xae: {  	s6 =	sshll.u32 s28, $0x1;
	[dreg:$0x2] =	wrdreg s4  }
0xaf: {  	[dreg:$0x3] =	wrdreg s6  }
0xb0: {  	[dreg:$0x4] =	wrdreg $0xC0  }
0xb1: {  	_ =	task [dreg:s8], $0x5FFFF  }
0xb2: {  	[dreg:$0x1] =	wrdreg $0xFFFFFFFF  }
0xb3: {  	[dreg:$0x0] =	wrdreg $0x60  }
0xb4: {  	[dreg:$0x2] =	wrdreg s24  }
0xb5: {  	[dreg:$0x3] =	wrdreg s17  }
0xb6: {  	[dreg:$0x4] =	wrdreg s16  }
0xb7: {  	[dreg:$0x5] =	wrdreg $0x9  }
0xb8: {  	_ =	task.clear_ibuf [dreg:s8], $0x6FFFF;
	_ =	strace $0x90000046  }
0xb9: {  	s29 =	simm.s32 $0x9;
	_ =	strace $0x80000048  }
0xba: {  	_ =	swait.ge [sflag:s29], $0x1  }
0xbb: {  	[sflag:s29] =	ssyncadd.s32 $0xFFFFFFFF  }
0xbc: {  	_ =	strace $0x90000048  }
0xbd: {  	_ =	sfence  }
0xbe: {  	s30 =	sld [smem:$0x0];
	_ =	sdelay $0x2  }
0xbf: {  	s31 =	sshll.u32 s1, $0xD;
	s1 =	sshrl.u32 s1, $0x2  }
0xc0: {  	s3 =	sand.u32 $0x4000, s31;
	s1 =	sadd.s32 s1, s30  }
0xc1: {  	s0 =	sor.u32 s3, s0;
	s1 =	sshll.u32 s1, $0x11  }
0xc2: {  	s0 =	sor.u32 s1, s0  }
0xc3: {  	s0 =	sadd.s32 $0x8F2B, s0  }
0xc4: {  	[sflag:s0] =	ssyncadd.remote.s32 $0x1  }
0xc5: {  	_ =	sfence.sel $0xFFFF  }
0xc6: {  	[dreg:$0x0] =	wrdreg $0xFFFFFFFF;
	(pc) =	sbr.abs _section_cstart, $3  }
0xc7: {  	[dreg:$0x1] =	wrdreg $0xFFFFFFFF  }
0xc8: {  	_ =	task.clear_ibuf [dreg:s8], $0x2FFFF;
	_ =	strace $0x9FFFFFFF  }
0xc9: {  	(tm) =	ssettm $0x7FFFFFFF  }
tec
execute0_lowered:
.L_overlay_start_1:
0x0: {  	(tag) =	ssettag $0x1  }
0x1: {  	s5 =	rddreg [dreg:$0x0]  }
0x2: {  	s1 =	srdreg.scid;
	s3 =	rddreg [dreg:$0x1]  }
0x3: {  	s0 =	stileid.u32;
	s8 =	rddreg [dreg:$0x2];
	s6 =	sand.u32 $0x1, s1  }
0x4: {  	s2 =	simm.s32 $0x0;
	s4 =	sshll.u32 s0, $0x7;
	s7 =	sshll.u32 s6, $0x6  }
0x5: {  	[smem:$0x7FF] =	sst s2;
	s9 =	sor.u32 s7, s4  }
0x6: {  	s1 =	rddreg [dreg:$0x3];
	_ =	strace $0x80000047;
	s4 =	sshrl.u32 s9, $0x3  }
0x7: {  	s10 =	ssub.s32 $0x2, s6;
	s4 =	sadd.s32 s3, s4;
	s3 =	simm.s32 $0x2  }
0x8: {  	[tilespmem:s2], [sflag:$0x2] =	stream.linear.gather [hbm4b:s4+s2], $0x40, $0x38;
	[tilespmem:$0xC40] =	vst v63  }
0x9: {  	s5 =	sadd.s32 $0x2000, s5;
	s11 =	sshrl.u32 s10, $0x1;
	_ =	swait.ge [sflag:s3], $0x40  }
0xa: {  	s6 =	simm.s32 $0x40;
	s10 =	ssub.s32 s10, s11;
	[sflag:s3] =	ssyncset.done $0x0  }
0xb: {  	s7 =	simm.s32 $0x1;
	s31 =	smax.u32 s10, $0x1;
	[sflag:s3] =	ssyncadd.s32 $0xFFFFFFC0  }
0xc: {  	[tilespmem:s6], [sflag:$0x1] =	stream.indirect.gather [hbm4b:s5+s6], $0x30, s2, s6, $0xb8;
	[tilespmem:$0xC40] =	vst v63  }
0xd: {  	s9 =	smul.u32 $0x6, s9;
	p0 =	sne.s32 s31, $0x1;
	_ =	swait.ge [sflag:s7], $0xC00  }
.Ltmp0:
0xe: {  	[sflag:s7] =	ssyncset.done $0x0;
	(pc) =	sbr.rel @!p0 .LBB2_2-.Ltmp0, $4  }
0xf: {  	s8 =	sadd.s32 s8, s9;
	[sflag:s7] =	ssyncadd.s32 $0xFFFFF400  }
0x10: {  	[hbm4b:s8+s2] =	stream.linear.scatter [tilespmem:s6], [sflag:$0x2], $0xC00, $0x38;
	[tilespmem:$0xC40] =	vst v63  }
0x11: {  	_ =	swait.ge [sflag:s3], $0xC00  }
0x12: {  	s9 =	sadd.s32 $0xFFFFFFFF, s31;
	[sflag:s3] =	ssyncset.done $0x0  }
.LBB2_1:
0x13: {  	p0 =	sne.s32 s9, $0x1;
	s9 =	sadd.s32 $0xFFFFFFFF, s9;
	[sflag:s3] =	ssyncadd.s32 $0xFFFFF400  }
0x14: {  	[tilespmem:s2], [sflag:$0x2] =	stream.linear.gather [hbm4b:s4+s2], $0x40, $0x38;
	[tilespmem:$0xC40] =	vst v63  }
0x15: {  	_ =	swait.ge [sflag:s3], $0x40  }
0x16: {  	[sflag:s3] =	ssyncset.done $0x0  }
0x17: {  	[sflag:s3] =	ssyncadd.s32 $0xFFFFFFC0  }
0x18: {  	[tilespmem:s6], [sflag:$0x1] =	stream.indirect.gather [hbm4b:s5+s6], $0x30, s2, s6, $0xb8;
	[tilespmem:$0xC40] =	vst v63  }
0x19: {  	_ =	swait.ge [sflag:s7], $0xC00  }
.Ltmp1:
0x1a: {  	[sflag:s7] =	ssyncset.done $0x0;
	(pc) =	sbr.rel @p0 .LBB2_1-.Ltmp1, $4  }
0x1b: {  	[sflag:s7] =	ssyncadd.s32 $0xFFFFF400  }
0x1c: {  	[hbm4b:s8+s2] =	stream.linear.scatter [tilespmem:s6], [sflag:$0x2], $0xC00, $0x38;
	[tilespmem:$0xC40] =	vst v63  }
0x1d: {  	_ =	swait.ge [sflag:s3], $0xC00  }
0x1e: {  	[sflag:s3] =	ssyncset.done $0x0  }
.LBB2_2:
0x1f: {  	[sflag:s3] =	ssyncadd.s32 $0xFFFFF400  }
0x20: {  	_ =	sfence.sel $0x180000  }
0x21: {  	[bflag:$0x0] =	sbarrier.arrive $0xFFFF  }
0x22: {  	p0 =	sne.s32 s0, $0x0;
	_ =	strace $0x90000047  }
0x23: {  	s0 =	sadd.s32 @!p0 $0x100000, s1;
	[bflag:$0x2] =	sbarrier.arrive $0xFFFF  }
0x24: {  	[sflag:s0] =	ssyncadd.tile.s32 @!p0 $0x1;
	_ =	shalt  }
.Lfunc_end2:
_tile_overlayer_lowered:
.L_overlay_start_2:
0x25: {  	(tag) =	ssettag $0x2  }
0x26: {  	s0 =	rddreg [dreg:$0x0];
	s2 =	stileid.u32  }
0x27: {  	s1 =	rddreg [dreg:$0x1];
	p0 =	sne.s32 s2, $0x0  }
0x28: {  	s3 =	rddreg [dreg:$0x2];
	[bflag:$0x3] =	sbarrier.arrive $0xFFFF;
	s2 =	simm.s32 @!p0 $0x1C02  }
0x29: {  	[timem:s3], [sflag:s2] =	dma.local @!p0 [hbm:s0], s1  }
0x2a: {  	s0 =	simm.s32 @!p0 $0x2  }
0x2b: {  	_ =	swait.ge @!p0 [sflag:s0], s1  }
0x2c: {  	s1 =	ssub.s32 @!p0 $0x0, s1;
	[sflag:s0] =	ssyncset.done @!p0 $0x0  }
0x2d: {  	[sflag:s0] =	ssyncadd.s32 @!p0 s1  }
0x2e: {  	[bflag:$0x3] =	sbarrier.arrive $0xFFFF  }
0x2f: {  	_ =	shalt  }

</sc_bundles>
